<compile_context>
chip_gen: v7x
topology: tpu7x:2x2x1
jax: 0.10.2.dev20260603
libtpu: 0.0.44.dev20260713+nightly
codegen_flags: <defaults>
</compile_context>

<pallas_src>
import functools

import jax
import jax.numpy as jnp
from jax import lax
from jax.experimental import pallas as pl
from jax.experimental.pallas import tpu as pltpu
from jax.experimental.pallas import tpu_sc as plsc

NUM_NODES = 1_000_000
BATCH = 16384
DIM = 64
NUM_WORKERS = 32
R = NUM_NODES // NUM_WORKERS
LANES = 16
STEPS = BATCH // LANES
BLK = 128
PAIR = 2 * BLK


def _lane_gather(x, idx):
    dnums = lax.GatherDimensionNumbers(
        offset_dims=(), collapsed_slice_dims=(0,), start_index_map=(0,))
    return lax.gather(x, idx[:, None], dnums, (1,),
                      mode=lax.GatherScatterMode.PROMISE_IN_BOUNDS)


def _winner_gather(dst_ids, memory):
    mesh = plsc.VectorSubcoreMesh(core_axis_name="c", subcore_axis_name="s")

    @functools.partial(
        pl.kernel,
        mesh=mesh,
        out_type=jax.ShapeDtypeStruct((BATCH, DIM), jnp.float32),
        compiler_params=pltpu.CompilerParams(
            needs_layout_passes=False, use_tc_tiling_on_sc=False),
        scratch_types=[
            pltpu.VMEM((BATCH,), jnp.int32),
            pltpu.VMEM((R,), jnp.int32),
            pltpu.VMEM((BATCH + PAIR,), jnp.int32),
            pltpu.VMEM((BATCH + PAIR,), jnp.int32),
            pltpu.VMEM((2, BLK, DIM), jnp.float32),
            pltpu.SemaphoreType.DMA,
            pltpu.SemaphoreType.DMA,
            pltpu.SemaphoreType.DMA,
            pltpu.SemaphoreType.DMA,
        ],
    )
    def run(ids_hbm, mem_hbm, out_hbm, ids_v, table_v, ibuf, wbuf, rows,
            sem_g0, sem_g1, sem_s0, sem_s1):
        wid = lax.axis_index("s") * 2 + lax.axis_index("c")
        lo = wid * R
        lanes = lax.iota(jnp.int32, LANES)

        pltpu.sync_copy(ids_hbm, ids_v)

        def pass1(s, cnt):
            v = ids_v[pl.ds(s * LANES, LANES)]
            local = v - lo
            inr = (local >= 0) & (local < R)
            plsc.store_scatter(table_v, [local], s * LANES + lanes, mask=inr)
            plsc.store_compressed(ibuf.at[pl.ds(cnt, LANES)],
                                  s * LANES + lanes, mask=inr)
            return cnt + jnp.sum(inr.astype(jnp.int32))

        cnt = lax.fori_loop(0, STEPS, pass1, jnp.int32(0), unroll=2)

        @pl.when(cnt > 0)
        def _():
            i0 = plsc.load_gather(ibuf, [lanes * 0])
            pad = (-cnt) % PAIR
            for p in range(PAIR // LANES):
                plsc.store_scatter(ibuf, [cnt + p * LANES + lanes], i0,
                                   mask=(p * LANES + lanes) < pad)
            ntot = cnt + pad

            def lookup(s, carry):
                iv = ibuf[pl.ds(s * LANES, LANES)]
                v = plsc.load_gather(ids_v, [iv])
                wv = plsc.load_gather(table_v, [v - lo])
                wbuf[pl.ds(s * LANES, LANES)] = wv
                return carry

            lax.fori_loop(0, ntot // LANES, lookup, jnp.int32(0))

            def pair(p, carry):
                b0 = p * PAIR
                b1 = b0 + BLK
                g0 = pltpu.async_copy(
                    mem_hbm.at[wbuf.at[pl.ds(b0, BLK)]], rows.at[0], sem_g0)
                g1 = pltpu.async_copy(
                    mem_hbm.at[wbuf.at[pl.ds(b1, BLK)]], rows.at[1], sem_g1)
                g0.wait()
                s0 = pltpu.async_copy(
                    rows.at[0], out_hbm.at[ibuf.at[pl.ds(b0, BLK)]], sem_s0)
                g1.wait()
                s1 = pltpu.async_copy(
                    rows.at[1], out_hbm.at[ibuf.at[pl.ds(b1, BLK)]], sem_s1)
                s0.wait()
                s1.wait()
                return carry

            lax.fori_loop(0, ntot // PAIR, pair, jnp.int32(0))

    return run(dst_ids, memory)


def kernel(dst_ids, memory, memory_store):
    del memory_store
    return _winner_gather(dst_ids.astype(jnp.int32), memory)

# --- scband reference (transcript-rebuilt; emitter-appended) ---
"""Pipeline reference for scband-memory-store-26843545600139 (READ-ONLY COPY).

The authoritative reference and input builder live on the scoring server;
editing this copy changes nothing except your own understanding.
"""

import jax, jax.numpy as jnp
import numpy as np

NUM_NODES = 1000000
MEMORY_DIM = 64
BATCH = 16384

def setup_inputs(seed: int = 0) -> dict:
    key = jax.random.key(seed)
    k1, k2 = jax.random.split(key)
    dst_ids = jax.random.randint(k1, (BATCH,), 0, NUM_NODES, dtype=jnp.int64 if jax.config.jax_enable_x64 else jnp.int32)
    memory = jax.random.normal(k2, (BATCH, MEMORY_DIM), dtype=jnp.float32)
    memory_store = jnp.zeros((NUM_NODES, MEMORY_DIM), dtype=jnp.float32)
    return {"dst_ids": dst_ids, "memory": memory, "memory_store": memory_store}

def reference(dst_ids, memory, memory_store):
    # set_memory: scatter-overwrite rows of the memory store at dst_ids
    updated_store = memory_store.at[dst_ids].set(memory)
    # get_memory: gather the rows back
    out = updated_store[dst_ids]
    return out

if __name__ == "__main__":
    import jax
    _d = setup_inputs()
    print(jax.jit(kernel)(*tuple(_d.values())))

</pallas_src>

<mosaic_0001>
#map = affine_map<(d0, d1) -> (0)>
#map1 = affine_map<(d0, d1) -> (0, 0)>
module attributes {stable_mosaic.version = 14 : i64} {
  func.func @run(%arg0: i32, %arg1: i32, %arg2: memref<16384xi32, #tpu.memory_space<hbm>>, %arg3: memref<16384x64xf32, #tpu.memory_space<hbm>>, %arg4: memref<16384x64xf32, #tpu.memory_space<hbm>>, %arg5: memref<16384xi32, #tpu.memory_space<vmem>>, %arg6: memref<31250xi32, #tpu.memory_space<vmem>>, %arg7: memref<16640xi32, #tpu.memory_space<vmem>>, %arg8: memref<16640xi32, #tpu.memory_space<vmem>>, %arg9: memref<2x128x64xf32, #tpu.memory_space<vmem>>, %arg10: memref<!tpu.dma_semaphore, #tpu.memory_space<semaphore_mem>>, %arg11: memref<!tpu.dma_semaphore, #tpu.memory_space<semaphore_mem>>, %arg12: memref<!tpu.dma_semaphore, #tpu.memory_space<semaphore_mem>>, %arg13: memref<!tpu.dma_semaphore, #tpu.memory_space<semaphore_mem>>) attributes {dimension_semantics = [#tpu.dimension_semantics<core_parallel>, #tpu.dimension_semantics<subcore_parallel>], iteration_bounds = array<i64: 2, 16>, scalar_prefetch = 0 : i64, scratch_operands = 9 : i64, tpu.core_type = #tpu.core_type<sc_vector_subcore>, window_params = [{transform_indices = #map}, {transform_indices = #map1}, {transform_indices = #map1}]} {
    %mul3A = arith.constant 2 : i32
    %mul3A_0 = arith.muli %arg1, %mul3A : i32
    %add3A = arith.addi %mul3A_0, %arg0 : i32
    %mul3A_1 = arith.constant 31250 : i32
    %mul3A_2 = arith.muli %add3A, %mul3A_1 : i32
    %iota3A = tpu.iota {dimensions = array<i32: 0>} : vector<16xi32>
    "tpu.region"() ({
      %run_scoped3A = tpu.sem_alloc : memref<!tpu.dma_semaphore, #tpu.memory_space<semaphore_mem>>
      tpu.enqueue_dma source(%arg2 : memref<16384xi32, #tpu.memory_space<hbm>>) target(%arg5 : memref<16384xi32, #tpu.memory_space<vmem>>) target_semaphore(%run_scoped3A : memref<!tpu.dma_semaphore, #tpu.memory_space<semaphore_mem>>)
      tpu.wait_dma2 semaphore(%run_scoped3A : memref<!tpu.dma_semaphore, #tpu.memory_space<semaphore_mem>>) src(%arg2 : memref<16384xi32, #tpu.memory_space<hbm>>) dst(%arg5 : memref<16384xi32, #tpu.memory_space<vmem>>)
      tpu.yield
    }) : () -> ()
    %scan3A = arith.constant 0 : i32
    %scan3A_3 = arith.constant 0 : i32
    %scan3A_4 = arith.constant 1024 : i32
    %scan3A_5 = arith.addi %scan3A_3, %scan3A_4 : i32
    %scan3A_6 = arith.constant 2 : i32
    %scan3A_7 = scf.for %scan3A_11 = %scan3A_3 to %scan3A_5 step %scan3A_6 iter_args(%scan3A_12 = %scan3A) -> (i32)  : i32 {
      %mul3A_13 = arith.constant 16 : i32
      %mul3A_14 = arith.muli %scan3A_11, %mul3A_13 : i32
      %get3A = arith.index_cast %mul3A_14 : i32 to index
      %get3A_15 = tpu.vector_load %arg5[%get3A] {strides = array<i32>} : memref<16384xi32, #tpu.memory_space<vmem>>, vector<16xi32>,
      %sub3A = vector.broadcast %mul3A_2 : i32 to vector<16xi32>
      %sub3A_16 = arith.subi %get3A_15, %sub3A : vector<16xi32>
      %ge3A = arith.constant 0 : i32
      %ge3A_17 = vector.broadcast %ge3A : i32 to vector<16xi32>
      %ge3A_18 = arith.cmpi sge, %sub3A_16, %ge3A_17 : vector<16xi32>
      %lt3A = arith.constant 31250 : i32
      %lt3A_19 = vector.broadcast %lt3A : i32 to vector<16xi32>
      %lt3A_20 = arith.cmpi slt, %sub3A_16, %lt3A_19 : vector<16xi32>
      %and3A = arith.andi %ge3A_18, %lt3A_20 : vector<16xi1>
      %mul3A_21 = arith.constant 16 : i32
      %mul3A_22 = arith.muli %scan3A_11, %mul3A_21 : i32
      %add3A_23 = vector.broadcast %mul3A_22 : i32 to vector<16xi32>
      %add3A_24 = arith.addi %add3A_23, %iota3A : vector<16xi32>
      tpu.vector_store_idx %arg6[%sub3A_16], %add3A_24 masked %and3A : memref<31250xi32, #tpu.memory_space<vmem>>[vector<16xi32>], vector<16xi32>, vector<16xi1>
      %mul3A_25 = arith.constant 16 : i32
      %mul3A_26 = arith.muli %scan3A_11, %mul3A_25 : i32
      %add3A_27 = vector.broadcast %mul3A_26 : i32 to vector<16xi32>
      %add3A_28 = arith.addi %add3A_27, %iota3A : vector<16xi32>
      %swap3A = arith.index_cast %scan3A_12 : i32 to index
      %swap3A_29 = tpu.vector_load %arg7[%swap3A] masked %and3A {strides = array<i32>} : memref<16640xi32, #tpu.memory_space<vmem>>, vector<16xi32>, vector<16xi1>
      tpu.vector_store %arg7[%swap3A], %add3A_28 masked %and3A {strides = array<i32>} : memref<16640xi32, #tpu.memory_space<vmem>>, vector<16xi32>, vector<16xi1>
      %convert_element_type3A_30 = arith.extui %and3A : vector<16xi1> to vector<16xi32>
      %reduce_sum3A = arith.constant true
      %reduce_sum3A_31 = vector.broadcast %reduce_sum3A : i1 to vector<16xi1>
      %reduce_sum3A_32 = tpu.scan <sum>, %convert_element_type3A_30 masked %reduce_sum3A_31 : vector<16xi32>, vector<16xi1> -> vector<16xi32>
      %reduce_sum3A_33 = vector.extract %reduce_sum3A_32[15] : i32 from vector<16xi32>
      %add3A_34 = arith.addi %scan3A_12, %reduce_sum3A_33 : i32
      %scan3A_35 = arith.constant 1 : i32
      %scan3A_36 = arith.addi %scan3A_11, %scan3A_35 : i32
      %mul3A_37 = arith.constant 16 : i32
      %mul3A_38 = arith.muli %scan3A_36, %mul3A_37 : i32
      %get3A_39 = arith.index_cast %mul3A_38 : i32 to index
      %get3A_40 = tpu.vector_load %arg5[%get3A_39] {strides = array<i32>} : memref<16384xi32, #tpu.memory_space<vmem>>, vector<16xi32>,
      %sub3A_41 = vector.broadcast %mul3A_2 : i32 to vector<16xi32>
      %sub3A_42 = arith.subi %get3A_40, %sub3A_41 : vector<16xi32>
      %ge3A_43 = arith.constant 0 : i32
      %ge3A_44 = vector.broadcast %ge3A_43 : i32 to vector<16xi32>
      %ge3A_45 = arith.cmpi sge, %sub3A_42, %ge3A_44 : vector<16xi32>
      %lt3A_46 = arith.constant 31250 : i32
      %lt3A_47 = vector.broadcast %lt3A_46 : i32 to vector<16xi32>
      %lt3A_48 = arith.cmpi slt, %sub3A_42, %lt3A_47 : vector<16xi32>
      %and3A_49 = arith.andi %ge3A_45, %lt3A_48 : vector<16xi1>
      %mul3A_50 = arith.constant 16 : i32
      %mul3A_51 = arith.muli %scan3A_36, %mul3A_50 : i32
      %add3A_52 = vector.broadcast %mul3A_51 : i32 to vector<16xi32>
      %add3A_53 = arith.addi %add3A_52, %iota3A : vector<16xi32>
      tpu.vector_store_idx %arg6[%sub3A_42], %add3A_53 masked %and3A_49 : memref<31250xi32, #tpu.memory_space<vmem>>[vector<16xi32>], vector<16xi32>, vector<16xi1>
      %mul3A_54 = arith.constant 16 : i32
      %mul3A_55 = arith.muli %scan3A_36, %mul3A_54 : i32
      %add3A_56 = vector.broadcast %mul3A_55 : i32 to vector<16xi32>
      %add3A_57 = arith.addi %add3A_56, %iota3A : vector<16xi32>
      %swap3A_58 = arith.index_cast %add3A_34 : i32 to index
      %swap3A_59 = tpu.vector_load %arg7[%swap3A_58] masked %and3A_49 {strides = array<i32>} : memref<16640xi32, #tpu.memory_space<vmem>>, vector<16xi32>, vector<16xi1>
      tpu.vector_store %arg7[%swap3A_58], %add3A_57 masked %and3A_49 {strides = array<i32>} : memref<16640xi32, #tpu.memory_space<vmem>>, vector<16xi32>, vector<16xi1>
      %convert_element_type3A_60 = arith.extui %and3A_49 : vector<16xi1> to vector<16xi32>
      %reduce_sum3A_61 = arith.constant true
      %reduce_sum3A_62 = vector.broadcast %reduce_sum3A_61 : i1 to vector<16xi1>
      %reduce_sum3A_63 = tpu.scan <sum>, %convert_element_type3A_60 masked %reduce_sum3A_62 : vector<16xi32>, vector<16xi1> -> vector<16xi32>
      %reduce_sum3A_64 = vector.extract %reduce_sum3A_63[15] : i32 from vector<16xi32>
      %add3A_65 = arith.addi %add3A_34, %reduce_sum3A_64 : i32
      scf.yield %add3A_65 : i32
    }
    %scan3A_8 = arith.constant 1024 : i32
    %gt3A = arith.constant 0 : i32
    %gt3A_9 = arith.cmpi sgt, %scan3A_7, %gt3A : i32
    %convert_element_type3A = arith.extui %gt3A_9 : i1 to i32
    %cond3A = arith.constant 0 : i32
    %cond3A_10 = arith.cmpi ne, %convert_element_type3A, %cond3A : i32
    scf.if %cond3A_10 {
      %mul3A_11 = arith.constant 0 : i32
      %mul3A_12 = vector.broadcast %mul3A_11 : i32 to vector<16xi32>
      %mul3A_13 = arith.muli %iota3A, %mul3A_12 : vector<16xi32>
      %gather3A = tpu.vector_load_idx %arg7[%mul3A_13] : memref<16640xi32, #tpu.memory_space<vmem>>[vector<16xi32>], vector<16xi32>,
      %neg3A = arith.constant 0 : i32
      %neg3A_14 = arith.subi %neg3A, %scan3A_7 : i32
      %jit3A = arith.constant 256 : i32
      %eq3A = arith.constant 0 : i32
      %eq3A_15 = arith.cmpi eq, %jit3A, %eq3A : i32
      %jit3A_16 = arith.constant 1 : i32
      %select_n3A = arith.select %eq3A_15, %jit3A_16, %jit3A : i32
      %rem3A = arith.remsi %neg3A_14, %select_n3A : i32
      %ne3A = arith.constant 0 : i32
      %ne3A_17 = arith.cmpi ne, %rem3A, %ne3A : i32
      %lt3A = arith.constant 0 : i32
      %lt3A_18 = arith.cmpi slt, %rem3A, %lt3A : i32
      %lt3A_19 = arith.constant 0 : i32
      %lt3A_20 = arith.cmpi slt, %select_n3A, %lt3A_19 : i32
      %ne3A_21 = arith.xori %lt3A_18, %lt3A_20 : i1
      %and3A = arith.andi %ne3A_21, %ne3A_17 : i1
      %add3A_22 = arith.addi %rem3A, %select_n3A : i32
      %select_n3A_23 = arith.select %and3A, %add3A_22, %rem3A : i32
      %add3A_24 = arith.constant 0 : i32
      %add3A_25 = arith.addi %scan3A_7, %add3A_24 : i32
      %add3A_26 = vector.broadcast %add3A_25 : i32 to vector<16xi32>
      %add3A_27 = arith.addi %add3A_26, %iota3A : vector<16xi32>
      %add3A_28 = arith.constant 0 : i32
      %add3A_29 = vector.broadcast %add3A_28 : i32 to vector<16xi32>
      %add3A_30 = arith.addi %add3A_29, %iota3A : vector<16xi32>
      %lt3A_31 = vector.broadcast %select_n3A_23 : i32 to vector<16xi32>
      %lt3A_32 = arith.cmpi slt, %add3A_30, %lt3A_31 : vector<16xi32>
      tpu.vector_store_idx %arg7[%add3A_27], %gather3A masked %lt3A_32 : memref<16640xi32, #tpu.memory_space<vmem>>[vector<16xi32>], vector<16xi32>, vector<16xi1>
      %add3A_33 = arith.constant 16 : i32
      %add3A_34 = arith.addi %scan3A_7, %add3A_33 : i32
      %add3A_35 = vector.broadcast %add3A_34 : i32 to vector<16xi32>
      %add3A_36 = arith.addi %add3A_35, %iota3A : vector<16xi32>
      %add3A_37 = arith.constant 16 : i32
      %add3A_38 = vector.broadcast %add3A_37 : i32 to vector<16xi32>
      %add3A_39 = arith.addi %add3A_38, %iota3A : vector<16xi32>
      %lt3A_40 = vector.broadcast %select_n3A_23 : i32 to vector<16xi32>
      %lt3A_41 = arith.cmpi slt, %add3A_39, %lt3A_40 : vector<16xi32>
      tpu.vector_store_idx %arg7[%add3A_36], %gather3A masked %lt3A_41 : memref<16640xi32, #tpu.memory_space<vmem>>[vector<16xi32>], vector<16xi32>, vector<16xi1>
      %add3A_42 = arith.constant 32 : i32
      %add3A_43 = arith.addi %scan3A_7, %add3A_42 : i32
      %add3A_44 = vector.broadcast %add3A_43 : i32 to vector<16xi32>
      %add3A_45 = arith.addi %add3A_44, %iota3A : vector<16xi32>
      %add3A_46 = arith.constant 32 : i32
      %add3A_47 = vector.broadcast %add3A_46 : i32 to vector<16xi32>
      %add3A_48 = arith.addi %add3A_47, %iota3A : vector<16xi32>
      %lt3A_49 = vector.broadcast %select_n3A_23 : i32 to vector<16xi32>
      %lt3A_50 = arith.cmpi slt, %add3A_48, %lt3A_49 : vector<16xi32>
      tpu.vector_store_idx %arg7[%add3A_45], %gather3A masked %lt3A_50 : memref<16640xi32, #tpu.memory_space<vmem>>[vector<16xi32>], vector<16xi32>, vector<16xi1>
      %add3A_51 = arith.constant 48 : i32
      %add3A_52 = arith.addi %scan3A_7, %add3A_51 : i32
      %add3A_53 = vector.broadcast %add3A_52 : i32 to vector<16xi32>
      %add3A_54 = arith.addi %add3A_53, %iota3A : vector<16xi32>
      %add3A_55 = arith.constant 48 : i32
      %add3A_56 = vector.broadcast %add3A_55 : i32 to vector<16xi32>
      %add3A_57 = arith.addi %add3A_56, %iota3A : vector<16xi32>
      %lt3A_58 = vector.broadcast %select_n3A_23 : i32 to vector<16xi32>
      %lt3A_59 = arith.cmpi slt, %add3A_57, %lt3A_58 : vector<16xi32>
      tpu.vector_store_idx %arg7[%add3A_54], %gather3A masked %lt3A_59 : memref<16640xi32, #tpu.memory_space<vmem>>[vector<16xi32>], vector<16xi32>, vector<16xi1>
      %add3A_60 = arith.constant 64 : i32
      %add3A_61 = arith.addi %scan3A_7, %add3A_60 : i32
      %add3A_62 = vector.broadcast %add3A_61 : i32 to vector<16xi32>
      %add3A_63 = arith.addi %add3A_62, %iota3A : vector<16xi32>
      %add3A_64 = arith.constant 64 : i32
      %add3A_65 = vector.broadcast %add3A_64 : i32 to vector<16xi32>
      %add3A_66 = arith.addi %add3A_65, %iota3A : vector<16xi32>
      %lt3A_67 = vector.broadcast %select_n3A_23 : i32 to vector<16xi32>
      %lt3A_68 = arith.cmpi slt, %add3A_66, %lt3A_67 : vector<16xi32>
      tpu.vector_store_idx %arg7[%add3A_63], %gather3A masked %lt3A_68 : memref<16640xi32, #tpu.memory_space<vmem>>[vector<16xi32>], vector<16xi32>, vector<16xi1>
      %add3A_69 = arith.constant 80 : i32
      %add3A_70 = arith.addi %scan3A_7, %add3A_69 : i32
      %add3A_71 = vector.broadcast %add3A_70 : i32 to vector<16xi32>
      %add3A_72 = arith.addi %add3A_71, %iota3A : vector<16xi32>
      %add3A_73 = arith.constant 80 : i32
      %add3A_74 = vector.broadcast %add3A_73 : i32 to vector<16xi32>
      %add3A_75 = arith.addi %add3A_74, %iota3A : vector<16xi32>
      %lt3A_76 = vector.broadcast %select_n3A_23 : i32 to vector<16xi32>
      %lt3A_77 = arith.cmpi slt, %add3A_75, %lt3A_76 : vector<16xi32>
      tpu.vector_store_idx %arg7[%add3A_72], %gather3A masked %lt3A_77 : memref<16640xi32, #tpu.memory_space<vmem>>[vector<16xi32>], vector<16xi32>, vector<16xi1>
      %add3A_78 = arith.constant 96 : i32
      %add3A_79 = arith.addi %scan3A_7, %add3A_78 : i32
      %add3A_80 = vector.broadcast %add3A_79 : i32 to vector<16xi32>
      %add3A_81 = arith.addi %add3A_80, %iota3A : vector<16xi32>
      %add3A_82 = arith.constant 96 : i32
      %add3A_83 = vector.broadcast %add3A_82 : i32 to vector<16xi32>
      %add3A_84 = arith.addi %add3A_83, %iota3A : vector<16xi32>
      %lt3A_85 = vector.broadcast %select_n3A_23 : i32 to vector<16xi32>
      %lt3A_86 = arith.cmpi slt, %add3A_84, %lt3A_85 : vector<16xi32>
      tpu.vector_store_idx %arg7[%add3A_81], %gather3A masked %lt3A_86 : memref<16640xi32, #tpu.memory_space<vmem>>[vector<16xi32>], vector<16xi32>, vector<16xi1>
      %add3A_87 = arith.constant 112 : i32
      %add3A_88 = arith.addi %scan3A_7, %add3A_87 : i32
      %add3A_89 = vector.broadcast %add3A_88 : i32 to vector<16xi32>
      %add3A_90 = arith.addi %add3A_89, %iota3A : vector<16xi32>
      %add3A_91 = arith.constant 112 : i32
      %add3A_92 = vector.broadcast %add3A_91 : i32 to vector<16xi32>
      %add3A_93 = arith.addi %add3A_92, %iota3A : vector<16xi32>
      %lt3A_94 = vector.broadcast %select_n3A_23 : i32 to vector<16xi32>
      %lt3A_95 = arith.cmpi slt, %add3A_93, %lt3A_94 : vector<16xi32>
      tpu.vector_store_idx %arg7[%add3A_90], %gather3A masked %lt3A_95 : memref<16640xi32, #tpu.memory_space<vmem>>[vector<16xi32>], vector<16xi32>, vector<16xi1>
      %add3A_96 = arith.constant 128 : i32
      %add3A_97 = arith.addi %scan3A_7, %add3A_96 : i32
      %add3A_98 = vector.broadcast %add3A_97 : i32 to vector<16xi32>
      %add3A_99 = arith.addi %add3A_98, %iota3A : vector<16xi32>
      %add3A_100 = arith.constant 128 : i32
      %add3A_101 = vector.broadcast %add3A_100 : i32 to vector<16xi32>
      %add3A_102 = arith.addi %add3A_101, %iota3A : vector<16xi32>
      %lt3A_103 = vector.broadcast %select_n3A_23 : i32 to vector<16xi32>
      %lt3A_104 = arith.cmpi slt, %add3A_102, %lt3A_103 : vector<16xi32>
      tpu.vector_store_idx %arg7[%add3A_99], %gather3A masked %lt3A_104 : memref<16640xi32, #tpu.memory_space<vmem>>[vector<16xi32>], vector<16xi32>, vector<16xi1>
      %add3A_105 = arith.constant 144 : i32
      %add3A_106 = arith.addi %scan3A_7, %add3A_105 : i32
      %add3A_107 = vector.broadcast %add3A_106 : i32 to vector<16xi32>
      %add3A_108 = arith.addi %add3A_107, %iota3A : vector<16xi32>
      %add3A_109 = arith.constant 144 : i32
      %add3A_110 = vector.broadcast %add3A_109 : i32 to vector<16xi32>
      %add3A_111 = arith.addi %add3A_110, %iota3A : vector<16xi32>
      %lt3A_112 = vector.broadcast %select_n3A_23 : i32 to vector<16xi32>
      %lt3A_113 = arith.cmpi slt, %add3A_111, %lt3A_112 : vector<16xi32>
      tpu.vector_store_idx %arg7[%add3A_108], %gather3A masked %lt3A_113 : memref<16640xi32, #tpu.memory_space<vmem>>[vector<16xi32>], vector<16xi32>, vector<16xi1>
      %add3A_114 = arith.constant 160 : i32
      %add3A_115 = arith.addi %scan3A_7, %add3A_114 : i32
      %add3A_116 = vector.broadcast %add3A_115 : i32 to vector<16xi32>
      %add3A_117 = arith.addi %add3A_116, %iota3A : vector<16xi32>
      %add3A_118 = arith.constant 160 : i32
      %add3A_119 = vector.broadcast %add3A_118 : i32 to vector<16xi32>
      %add3A_120 = arith.addi %add3A_119, %iota3A : vector<16xi32>
      %lt3A_121 = vector.broadcast %select_n3A_23 : i32 to vector<16xi32>
      %lt3A_122 = arith.cmpi slt, %add3A_120, %lt3A_121 : vector<16xi32>
      tpu.vector_store_idx %arg7[%add3A_117], %gather3A masked %lt3A_122 : memref<16640xi32, #tpu.memory_space<vmem>>[vector<16xi32>], vector<16xi32>, vector<16xi1>
      %add3A_123 = arith.constant 176 : i32
      %add3A_124 = arith.addi %scan3A_7, %add3A_123 : i32
      %add3A_125 = vector.broadcast %add3A_124 : i32 to vector<16xi32>
      %add3A_126 = arith.addi %add3A_125, %iota3A : vector<16xi32>
      %add3A_127 = arith.constant 176 : i32
      %add3A_128 = vector.broadcast %add3A_127 : i32 to vector<16xi32>
      %add3A_129 = arith.addi %add3A_128, %iota3A : vector<16xi32>
      %lt3A_130 = vector.broadcast %select_n3A_23 : i32 to vector<16xi32>
      %lt3A_131 = arith.cmpi slt, %add3A_129, %lt3A_130 : vector<16xi32>
      tpu.vector_store_idx %arg7[%add3A_126], %gather3A masked %lt3A_131 : memref<16640xi32, #tpu.memory_space<vmem>>[vector<16xi32>], vector<16xi32>, vector<16xi1>
      %add3A_132 = arith.constant 192 : i32
      %add3A_133 = arith.addi %scan3A_7, %add3A_132 : i32
      %add3A_134 = vector.broadcast %add3A_133 : i32 to vector<16xi32>
      %add3A_135 = arith.addi %add3A_134, %iota3A : vector<16xi32>
      %add3A_136 = arith.constant 192 : i32
      %add3A_137 = vector.broadcast %add3A_136 : i32 to vector<16xi32>
      %add3A_138 = arith.addi %add3A_137, %iota3A : vector<16xi32>
      %lt3A_139 = vector.broadcast %select_n3A_23 : i32 to vector<16xi32>
      %lt3A_140 = arith.cmpi slt, %add3A_138, %lt3A_139 : vector<16xi32>
      tpu.vector_store_idx %arg7[%add3A_135], %gather3A masked %lt3A_140 : memref<16640xi32, #tpu.memory_space<vmem>>[vector<16xi32>], vector<16xi32>, vector<16xi1>
      %add3A_141 = arith.constant 208 : i32
      %add3A_142 = arith.addi %scan3A_7, %add3A_141 : i32
      %add3A_143 = vector.broadcast %add3A_142 : i32 to vector<16xi32>
      %add3A_144 = arith.addi %add3A_143, %iota3A : vector<16xi32>
      %add3A_145 = arith.constant 208 : i32
      %add3A_146 = vector.broadcast %add3A_145 : i32 to vector<16xi32>
      %add3A_147 = arith.addi %add3A_146, %iota3A : vector<16xi32>
      %lt3A_148 = vector.broadcast %select_n3A_23 : i32 to vector<16xi32>
      %lt3A_149 = arith.cmpi slt, %add3A_147, %lt3A_148 : vector<16xi32>
      tpu.vector_store_idx %arg7[%add3A_144], %gather3A masked %lt3A_149 : memref<16640xi32, #tpu.memory_space<vmem>>[vector<16xi32>], vector<16xi32>, vector<16xi1>
      %add3A_150 = arith.constant 224 : i32
      %add3A_151 = arith.addi %scan3A_7, %add3A_150 : i32
      %add3A_152 = vector.broadcast %add3A_151 : i32 to vector<16xi32>
      %add3A_153 = arith.addi %add3A_152, %iota3A : vector<16xi32>
      %add3A_154 = arith.constant 224 : i32
      %add3A_155 = vector.broadcast %add3A_154 : i32 to vector<16xi32>
      %add3A_156 = arith.addi %add3A_155, %iota3A : vector<16xi32>
      %lt3A_157 = vector.broadcast %select_n3A_23 : i32 to vector<16xi32>
      %lt3A_158 = arith.cmpi slt, %add3A_156, %lt3A_157 : vector<16xi32>
      tpu.vector_store_idx %arg7[%add3A_153], %gather3A masked %lt3A_158 : memref<16640xi32, #tpu.memory_space<vmem>>[vector<16xi32>], vector<16xi32>, vector<16xi1>
      %add3A_159 = arith.constant 240 : i32
      %add3A_160 = arith.addi %scan3A_7, %add3A_159 : i32
      %add3A_161 = vector.broadcast %add3A_160 : i32 to vector<16xi32>
      %add3A_162 = arith.addi %add3A_161, %iota3A : vector<16xi32>
      %add3A_163 = arith.constant 240 : i32
      %add3A_164 = vector.broadcast %add3A_163 : i32 to vector<16xi32>
      %add3A_165 = arith.addi %add3A_164, %iota3A : vector<16xi32>
      %lt3A_166 = vector.broadcast %select_n3A_23 : i32 to vector<16xi32>
      %lt3A_167 = arith.cmpi slt, %add3A_165, %lt3A_166 : vector<16xi32>
      tpu.vector_store_idx %arg7[%add3A_162], %gather3A masked %lt3A_167 : memref<16640xi32, #tpu.memory_space<vmem>>[vector<16xi32>], vector<16xi32>, vector<16xi1>
      %add3A_168 = arith.addi %scan3A_7, %select_n3A_23 : i32
      %jit3A_169 = arith.constant 16 : i32
      %div3A = arith.divsi %add3A_168, %jit3A_169 : i32
      %sign3A = arith.constant 0 : i32
      %sign3A_170 = arith.cmpi sgt, %add3A_168, %sign3A : i32
      %sign3A_171 = arith.extui %sign3A_170 : i1 to i32
      %sign3A_172 = arith.constant 0 : i32
      %sign3A_173 = arith.cmpi slt, %add3A_168, %sign3A_172 : i32
      %sign3A_174 = arith.extui %sign3A_173 : i1 to i32
      %sign3A_175 = arith.subi %sign3A_171, %sign3A_174 : i32
      %sign3A_176 = arith.constant 0 : i32
      %sign3A_177 = arith.cmpi sgt, %jit3A_169, %sign3A_176 : i32
      %sign3A_178 = arith.extui %sign3A_177 : i1 to i32
      %sign3A_179 = arith.constant 0 : i32
      %sign3A_180 = arith.cmpi slt, %jit3A_169, %sign3A_179 : i32
      %sign3A_181 = arith.extui %sign3A_180 : i1 to i32
      %sign3A_182 = arith.subi %sign3A_178, %sign3A_181 : i32
      %ne3A_183 = arith.cmpi ne, %sign3A_175, %sign3A_182 : i32
      %rem3A_184 = arith.remsi %add3A_168, %jit3A_169 : i32
      %ne3A_185 = arith.constant 0 : i32
      %ne3A_186 = arith.cmpi ne, %rem3A_184, %ne3A_185 : i32
      %and3A_187 = arith.andi %ne3A_183, %ne3A_186 : i1
      %sub3A = arith.constant 1 : i32
      %sub3A_188 = arith.subi %div3A, %sub3A : i32
      %select_n3A_189 = arith.select %and3A_187, %sub3A_188, %div3A : i32
      %while3A = arith.constant 0 : i32
      %while3A_190 = arith.constant 0 : i32
      %while3A_191 = arith.subi %select_n3A_189, %while3A_190 : i32
      %while3A_192 = arith.addi %while3A_190, %while3A_191 : i32
      %while3A_193 = arith.constant 1 : i32
      %while3A_194 = arith.divsi %while3A_191, %while3A_193 : i32
      %while3A_195 = arith.muli %while3A_194, %while3A_193 : i32
      %while3A_196 = arith.addi %while3A_190, %while3A_195 : i32
      %while3A_197 = arith.constant 1 : i32
      scf.for %while3A_233 = %while3A_190 to %while3A_196 step %while3A_197  : i32 {
        %mul3A_234 = arith.constant 16 : i32
        %mul3A_235 = arith.muli %while3A_233, %mul3A_234 : i32
        %get3A = arith.index_cast %mul3A_235 : i32 to index
        %get3A_236 = tpu.vector_load %arg7[%get3A] {strides = array<i32>} : memref<16640xi32, #tpu.memory_space<vmem>>, vector<16xi32>,
        %gather3A_237 = tpu.vector_load_idx %arg5[%get3A_236] : memref<16384xi32, #tpu.memory_space<vmem>>[vector<16xi32>], vector<16xi32>,
        %sub3A_238 = vector.broadcast %mul3A_2 : i32 to vector<16xi32>
        %sub3A_239 = arith.subi %gather3A_237, %sub3A_238 : vector<16xi32>
        %gather3A_240 = tpu.vector_load_idx %arg6[%sub3A_239] : memref<31250xi32, #tpu.memory_space<vmem>>[vector<16xi32>], vector<16xi32>,
        %mul3A_241 = arith.constant 16 : i32
        %mul3A_242 = arith.muli %while3A_233, %mul3A_241 : i32
        %swap3A = arith.index_cast %mul3A_242 : i32 to index
        %swap3A_243 = tpu.vector_load %arg8[%swap3A] {strides = array<i32>} : memref<16640xi32, #tpu.memory_space<vmem>>, vector<16xi32>,
        tpu.vector_store %arg8[%swap3A], %gather3A_240 {strides = array<i32>} : memref<16640xi32, #tpu.memory_space<vmem>>, vector<16xi32>,
      }
      %while3A_198 = arith.constant 1 : i32
      scf.for %while3A_233 = %while3A_196 to %while3A_192 step %while3A_198  : i32 {
        %mul3A_234 = arith.constant 16 : i32
        %mul3A_235 = arith.muli %while3A_233, %mul3A_234 : i32
        %get3A = arith.index_cast %mul3A_235 : i32 to index
        %get3A_236 = tpu.vector_load %arg7[%get3A] {strides = array<i32>} : memref<16640xi32, #tpu.memory_space<vmem>>, vector<16xi32>,
        %gather3A_237 = tpu.vector_load_idx %arg5[%get3A_236] : memref<16384xi32, #tpu.memory_space<vmem>>[vector<16xi32>], vector<16xi32>,
        %sub3A_238 = vector.broadcast %mul3A_2 : i32 to vector<16xi32>
        %sub3A_239 = arith.subi %gather3A_237, %sub3A_238 : vector<16xi32>
        %gather3A_240 = tpu.vector_load_idx %arg6[%sub3A_239] : memref<31250xi32, #tpu.memory_space<vmem>>[vector<16xi32>], vector<16xi32>,
        %mul3A_241 = arith.constant 16 : i32
        %mul3A_242 = arith.muli %while3A_233, %mul3A_241 : i32
        %swap3A = arith.index_cast %mul3A_242 : i32 to index
        %swap3A_243 = tpu.vector_load %arg8[%swap3A] {strides = array<i32>} : memref<16640xi32, #tpu.memory_space<vmem>>, vector<16xi32>,
        tpu.vector_store %arg8[%swap3A], %gather3A_240 {strides = array<i32>} : memref<16640xi32, #tpu.memory_space<vmem>>, vector<16xi32>,
      }
      %jit3A_199 = arith.constant 256 : i32
      %div3A_200 = arith.divsi %add3A_168, %jit3A_199 : i32
      %sign3A_201 = arith.constant 0 : i32
      %sign3A_202 = arith.cmpi sgt, %add3A_168, %sign3A_201 : i32
      %sign3A_203 = arith.extui %sign3A_202 : i1 to i32
      %sign3A_204 = arith.constant 0 : i32
      %sign3A_205 = arith.cmpi slt, %add3A_168, %sign3A_204 : i32
      %sign3A_206 = arith.extui %sign3A_205 : i1 to i32
      %sign3A_207 = arith.subi %sign3A_203, %sign3A_206 : i32
      %sign3A_208 = arith.constant 0 : i32
      %sign3A_209 = arith.cmpi sgt, %jit3A_199, %sign3A_208 : i32
      %sign3A_210 = arith.extui %sign3A_209 : i1 to i32
      %sign3A_211 = arith.constant 0 : i32
      %sign3A_212 = arith.cmpi slt, %jit3A_199, %sign3A_211 : i32
      %sign3A_213 = arith.extui %sign3A_212 : i1 to i32
      %sign3A_214 = arith.subi %sign3A_210, %sign3A_213 : i32
      %ne3A_215 = arith.cmpi ne, %sign3A_207, %sign3A_214 : i32
      %rem3A_216 = arith.remsi %add3A_168, %jit3A_199 : i32
      %ne3A_217 = arith.constant 0 : i32
      %ne3A_218 = arith.cmpi ne, %rem3A_216, %ne3A_217 : i32
      %and3A_219 = arith.andi %ne3A_215, %ne3A_218 : i1
      %sub3A_220 = arith.constant 1 : i32
      %sub3A_221 = arith.subi %div3A_200, %sub3A_220 : i32
      %select_n3A_222 = arith.select %and3A_219, %sub3A_221, %div3A_200 : i32
      %while3A_223 = arith.constant 0 : i32
      %while3A_224 = arith.constant 0 : i32
      %while3A_225 = arith.subi %select_n3A_222, %while3A_224 : i32
      %while3A_226 = arith.addi %while3A_224, %while3A_225 : i32
      %while3A_227 = arith.constant 1 : i32
      %while3A_228 = arith.divsi %while3A_225, %while3A_227 : i32
      %while3A_229 = arith.muli %while3A_228, %while3A_227 : i32
      %while3A_230 = arith.addi %while3A_224, %while3A_229 : i32
      %while3A_231 = arith.constant 1 : i32
      scf.for %while3A_233 = %while3A_224 to %while3A_230 step %while3A_231  : i32 {
        %mul3A_234 = arith.constant 256 : i32
        %mul3A_235 = arith.muli %while3A_233, %mul3A_234 : i32
        %add3A_236 = arith.constant 128 : i32
        %add3A_237 = arith.addi %mul3A_235, %add3A_236 : i32
        %dma_start3A = arith.constant 0 : i32
        %dma_start3A_238 = arith.constant 0 : i32
        %dma_start3A_239 = arith.constant 0 : i32
        %dma_start3A_240 = tpu.memref_slice %arg9[%dma_start3A, %dma_start3A_238, %dma_start3A_239] : memref<2x128x64xf32, #tpu.memory_space<vmem>> -> memref<1x128x64xf32, #tpu.memory_space<vmem>>
        %dma_start3A_241 = tpu.memref_squeeze %dma_start3A_240 : memref<1x128x64xf32, #tpu.memory_space<vmem>> -> memref<128x64xf32, #tpu.memory_space<vmem>>
        %dma_start3A_242 = tpu.memref_slice %arg8[%mul3A_235] : memref<16640xi32, #tpu.memory_space<vmem>> -> memref<128xi32, #tpu.memory_space<vmem>>
        %dma_start3A_243 = arith.constant 0 : i32
        %dma_start3A_244 = arith.constant 0 : i32
        %dma_start3A_245 = tpu.memref_slice %arg3[%dma_start3A_243, %dma_start3A_244] : memref<16384x64xf32, #tpu.memory_space<hbm>> -> memref<16384x64xf32, #tpu.memory_space<hbm>>
        tpu.enqueue_indirect_dma source(%dma_start3A_245 : memref<16384x64xf32, #tpu.memory_space<hbm>>) target(%dma_start3A_241 : memref<128x64xf32, #tpu.memory_space<vmem>>) offsets(%dma_start3A_242 : memref<128xi32, #tpu.memory_space<vmem>>) semaphore(%arg10 : memref<!tpu.dma_semaphore, #tpu.memory_space<semaphore_mem>>)
        %dma_start3A_246 = arith.constant 1 : i32
        %dma_start3A_247 = arith.constant 0 : i32
        %dma_start3A_248 = arith.constant 0 : i32
        %dma_start3A_249 = tpu.memref_slice %arg9[%dma_start3A_246, %dma_start3A_247, %dma_start3A_248] : memref<2x128x64xf32, #tpu.memory_space<vmem>> -> memref<1x128x64xf32, #tpu.memory_space<vmem>>
        %dma_start3A_250 = tpu.memref_squeeze %dma_start3A_249 : memref<1x128x64xf32, #tpu.memory_space<vmem>> -> memref<128x64xf32, #tpu.memory_space<vmem>>
        %dma_start3A_251 = tpu.memref_slice %arg8[%add3A_237] : memref<16640xi32, #tpu.memory_space<vmem>> -> memref<128xi32, #tpu.memory_space<vmem>>
        %dma_start3A_252 = arith.constant 0 : i32
        %dma_start3A_253 = arith.constant 0 : i32
        %dma_start3A_254 = tpu.memref_slice %arg3[%dma_start3A_252, %dma_start3A_253] : memref<16384x64xf32, #tpu.memory_space<hbm>> -> memref<16384x64xf32, #tpu.memory_space<hbm>>
        tpu.enqueue_indirect_dma source(%dma_start3A_254 : memref<16384x64xf32, #tpu.memory_space<hbm>>) target(%dma_start3A_250 : memref<128x64xf32, #tpu.memory_space<vmem>>) offsets(%dma_start3A_251 : memref<128xi32, #tpu.memory_space<vmem>>) semaphore(%arg11 : memref<!tpu.dma_semaphore, #tpu.memory_space<semaphore_mem>>)
        %dma_wait3A = arith.constant 0 : i32
        %dma_wait3A_255 = arith.constant 0 : i32
        %dma_wait3A_256 = arith.constant 0 : i32
        %dma_wait3A_257 = tpu.memref_slice %arg9[%dma_wait3A, %dma_wait3A_255, %dma_wait3A_256] : memref<2x128x64xf32, #tpu.memory_space<vmem>> -> memref<1x128x64xf32, #tpu.memory_space<vmem>>
        %dma_wait3A_258 = tpu.memref_squeeze %dma_wait3A_257 : memref<1x128x64xf32, #tpu.memory_space<vmem>> -> memref<128x64xf32, #tpu.memory_space<vmem>>
        %dma_wait3A_259 = tpu.memref_slice %arg8[%mul3A_235] : memref<16640xi32, #tpu.memory_space<vmem>> -> memref<128xi32, #tpu.memory_space<vmem>>
        %dma_wait3A_260 = arith.constant 0 : i32
        %dma_wait3A_261 = arith.constant 0 : i32
        %dma_wait3A_262 = tpu.memref_slice %arg3[%dma_wait3A_260, %dma_wait3A_261] : memref<16384x64xf32, #tpu.memory_space<hbm>> -> memref<16384x64xf32, #tpu.memory_space<hbm>>
        tpu.wait_indirect_dma semaphore(%arg10 : memref<!tpu.dma_semaphore, #tpu.memory_space<semaphore_mem>>) src(%dma_wait3A_262 : memref<16384x64xf32, #tpu.memory_space<hbm>>) dst(%dma_wait3A_258 : memref<128x64xf32, #tpu.memory_space<vmem>>)
        %dma_start3A_263 = arith.constant 0 : i32
        %dma_start3A_264 = arith.constant 0 : i32
        %dma_start3A_265 = arith.constant 0 : i32
        %dma_start3A_266 = tpu.memref_slice %arg9[%dma_start3A_263, %dma_start3A_264, %dma_start3A_265] : memref<2x128x64xf32, #tpu.memory_space<vmem>> -> memref<1x128x64xf32, #tpu.memory_space<vmem>>
        %dma_start3A_267 = tpu.memref_squeeze %dma_start3A_266 : memref<1x128x64xf32, #tpu.memory_space<vmem>> -> memref<128x64xf32, #tpu.memory_space<vmem>>
        %dma_start3A_268 = tpu.memref_slice %arg7[%mul3A_235] : memref<16640xi32, #tpu.memory_space<vmem>> -> memref<128xi32, #tpu.memory_space<vmem>>
        %dma_start3A_269 = arith.constant 0 : i32
        %dma_start3A_270 = arith.constant 0 : i32
        %dma_start3A_271 = tpu.memref_slice %arg4[%dma_start3A_269, %dma_start3A_270] : memref<16384x64xf32, #tpu.memory_space<hbm>> -> memref<16384x64xf32, #tpu.memory_space<hbm>>
        tpu.enqueue_indirect_dma source(%dma_start3A_267 : memref<128x64xf32, #tpu.memory_space<vmem>>) target(%dma_start3A_271 : memref<16384x64xf32, #tpu.memory_space<hbm>>) offsets(%dma_start3A_268 : memref<128xi32, #tpu.memory_space<vmem>>) semaphore(%arg12 : memref<!tpu.dma_semaphore, #tpu.memory_space<semaphore_mem>>)
        %dma_wait3A_272 = arith.constant 1 : i32
        %dma_wait3A_273 = arith.constant 0 : i32
        %dma_wait3A_274 = arith.constant 0 : i32
        %dma_wait3A_275 = tpu.memref_slice %arg9[%dma_wait3A_272, %dma_wait3A_273, %dma_wait3A_274] : memref<2x128x64xf32, #tpu.memory_space<vmem>> -> memref<1x128x64xf32, #tpu.memory_space<vmem>>
        %dma_wait3A_276 = tpu.memref_squeeze %dma_wait3A_275 : memref<1x128x64xf32, #tpu.memory_space<vmem>> -> memref<128x64xf32, #tpu.memory_space<vmem>>
        %dma_wait3A_277 = tpu.memref_slice %arg8[%add3A_237] : memref<16640xi32, #tpu.memory_space<vmem>> -> memref<128xi32, #tpu.memory_space<vmem>>
        %dma_wait3A_278 = arith.constant 0 : i32
        %dma_wait3A_279 = arith.constant 0 : i32
        %dma_wait3A_280 = tpu.memref_slice %arg3[%dma_wait3A_278, %dma_wait3A_279] : memref<16384x64xf32, #tpu.memory_space<hbm>> -> memref<16384x64xf32, #tpu.memory_space<hbm>>
        tpu.wait_indirect_dma semaphore(%arg11 : memref<!tpu.dma_semaphore, #tpu.memory_space<semaphore_mem>>) src(%dma_wait3A_280 : memref<16384x64xf32, #tpu.memory_space<hbm>>) dst(%dma_wait3A_276 : memref<128x64xf32, #tpu.memory_space<vmem>>)
        %dma_start3A_281 = arith.constant 1 : i32
        %dma_start3A_282 = arith.constant 0 : i32
        %dma_start3A_283 = arith.constant 0 : i32
        %dma_start3A_284 = tpu.memref_slice %arg9[%dma_start3A_281, %dma_start3A_282, %dma_start3A_283] : memref<2x128x64xf32, #tpu.memory_space<vmem>> -> memref<1x128x64xf32, #tpu.memory_space<vmem>>
        %dma_start3A_285 = tpu.memref_squeeze %dma_start3A_284 : memref<1x128x64xf32, #tpu.memory_space<vmem>> -> memref<128x64xf32, #tpu.memory_space<vmem>>
        %dma_start3A_286 = tpu.memref_slice %arg7[%add3A_237] : memref<16640xi32, #tpu.memory_space<vmem>> -> memref<128xi32, #tpu.memory_space<vmem>>
        %dma_start3A_287 = arith.constant 0 : i32
        %dma_start3A_288 = arith.constant 0 : i32
        %dma_start3A_289 = tpu.memref_slice %arg4[%dma_start3A_287, %dma_start3A_288] : memref<16384x64xf32, #tpu.memory_space<hbm>> -> memref<16384x64xf32, #tpu.memory_space<hbm>>
        tpu.enqueue_indirect_dma source(%dma_start3A_285 : memref<128x64xf32, #tpu.memory_space<vmem>>) target(%dma_start3A_289 : memref<16384x64xf32, #tpu.memory_space<hbm>>) offsets(%dma_start3A_286 : memref<128xi32, #tpu.memory_space<vmem>>) semaphore(%arg13 : memref<!tpu.dma_semaphore, #tpu.memory_space<semaphore_mem>>)
        %dma_wait3A_290 = arith.constant 0 : i32
        %dma_wait3A_291 = arith.constant 0 : i32
        %dma_wait3A_292 = arith.constant 0 : i32
        %dma_wait3A_293 = tpu.memref_slice %arg9[%dma_wait3A_290, %dma_wait3A_291, %dma_wait3A_292] : memref<2x128x64xf32, #tpu.memory_space<vmem>> -> memref<1x128x64xf32, #tpu.memory_space<vmem>>
        %dma_wait3A_294 = tpu.memref_squeeze %dma_wait3A_293 : memref<1x128x64xf32, #tpu.memory_space<vmem>> -> memref<128x64xf32, #tpu.memory_space<vmem>>
        %dma_wait3A_295 = tpu.memref_slice %arg7[%mul3A_235] : memref<16640xi32, #tpu.memory_space<vmem>> -> memref<128xi32, #tpu.memory_space<vmem>>
        %dma_wait3A_296 = arith.constant 0 : i32
        %dma_wait3A_297 = arith.constant 0 : i32
        %dma_wait3A_298 = tpu.memref_slice %arg4[%dma_wait3A_296, %dma_wait3A_297] : memref<16384x64xf32, #tpu.memory_space<hbm>> -> memref<16384x64xf32, #tpu.memory_space<hbm>>
        tpu.wait_indirect_dma semaphore(%arg12 : memref<!tpu.dma_semaphore, #tpu.memory_space<semaphore_mem>>) src(%dma_wait3A_294 : memref<128x64xf32, #tpu.memory_space<vmem>>) dst(%dma_wait3A_298 : memref<16384x64xf32, #tpu.memory_space<hbm>>)
        %dma_wait3A_299 = arith.constant 1 : i32
        %dma_wait3A_300 = arith.constant 0 : i32
        %dma_wait3A_301 = arith.constant 0 : i32
        %dma_wait3A_302 = tpu.memref_slice %arg9[%dma_wait3A_299, %dma_wait3A_300, %dma_wait3A_301] : memref<2x128x64xf32, #tpu.memory_space<vmem>> -> memref<1x128x64xf32, #tpu.memory_space<vmem>>
        %dma_wait3A_303 = tpu.memref_squeeze %dma_wait3A_302 : memref<1x128x64xf32, #tpu.memory_space<vmem>> -> memref<128x64xf32, #tpu.memory_space<vmem>>
        %dma_wait3A_304 = tpu.memref_slice %arg7[%add3A_237] : memref<16640xi32, #tpu.memory_space<vmem>> -> memref<128xi32, #tpu.memory_space<vmem>>
        %dma_wait3A_305 = arith.constant 0 : i32
        %dma_wait3A_306 = arith.constant 0 : i32
        %dma_wait3A_307 = tpu.memref_slice %arg4[%dma_wait3A_305, %dma_wait3A_306] : memref<16384x64xf32, #tpu.memory_space<hbm>> -> memref<16384x64xf32, #tpu.memory_space<hbm>>
        tpu.wait_indirect_dma semaphore(%arg13 : memref<!tpu.dma_semaphore, #tpu.memory_space<semaphore_mem>>) src(%dma_wait3A_303 : memref<128x64xf32, #tpu.memory_space<vmem>>) dst(%dma_wait3A_307 : memref<16384x64xf32, #tpu.memory_space<hbm>>)
      }
      %while3A_232 = arith.constant 1 : i32
      scf.for %while3A_233 = %while3A_230 to %while3A_226 step %while3A_232  : i32 {
        %mul3A_234 = arith.constant 256 : i32
        %mul3A_235 = arith.muli %while3A_233, %mul3A_234 : i32
        %add3A_236 = arith.constant 128 : i32
        %add3A_237 = arith.addi %mul3A_235, %add3A_236 : i32
        %dma_start3A = arith.constant 0 : i32
        %dma_start3A_238 = arith.constant 0 : i32
        %dma_start3A_239 = arith.constant 0 : i32
        %dma_start3A_240 = tpu.memref_slice %arg9[%dma_start3A, %dma_start3A_238, %dma_start3A_239] : memref<2x128x64xf32, #tpu.memory_space<vmem>> -> memref<1x128x64xf32, #tpu.memory_space<vmem>>
        %dma_start3A_241 = tpu.memref_squeeze %dma_start3A_240 : memref<1x128x64xf32, #tpu.memory_space<vmem>> -> memref<128x64xf32, #tpu.memory_space<vmem>>
        %dma_start3A_242 = tpu.memref_slice %arg8[%mul3A_235] : memref<16640xi32, #tpu.memory_space<vmem>> -> memref<128xi32, #tpu.memory_space<vmem>>
        %dma_start3A_243 = arith.constant 0 : i32
        %dma_start3A_244 = arith.constant 0 : i32
        %dma_start3A_245 = tpu.memref_slice %arg3[%dma_start3A_243, %dma_start3A_244] : memref<16384x64xf32, #tpu.memory_space<hbm>> -> memref<16384x64xf32, #tpu.memory_space<hbm>>
        tpu.enqueue_indirect_dma source(%dma_start3A_245 : memref<16384x64xf32, #tpu.memory_space<hbm>>) target(%dma_start3A_241 : memref<128x64xf32, #tpu.memory_space<vmem>>) offsets(%dma_start3A_242 : memref<128xi32, #tpu.memory_space<vmem>>) semaphore(%arg10 : memref<!tpu.dma_semaphore, #tpu.memory_space<semaphore_mem>>)
        %dma_start3A_246 = arith.constant 1 : i32
        %dma_start3A_247 = arith.constant 0 : i32
        %dma_start3A_248 = arith.constant 0 : i32
        %dma_start3A_249 = tpu.memref_slice %arg9[%dma_start3A_246, %dma_start3A_247, %dma_start3A_248] : memref<2x128x64xf32, #tpu.memory_space<vmem>> -> memref<1x128x64xf32, #tpu.memory_space<vmem>>
        %dma_start3A_250 = tpu.memref_squeeze %dma_start3A_249 : memref<1x128x64xf32, #tpu.memory_space<vmem>> -> memref<128x64xf32, #tpu.memory_space<vmem>>
        %dma_start3A_251 = tpu.memref_slice %arg8[%add3A_237] : memref<16640xi32, #tpu.memory_space<vmem>> -> memref<128xi32, #tpu.memory_space<vmem>>
        %dma_start3A_252 = arith.constant 0 : i32
        %dma_start3A_253 = arith.constant 0 : i32
        %dma_start3A_254 = tpu.memref_slice %arg3[%dma_start3A_252, %dma_start3A_253] : memref<16384x64xf32, #tpu.memory_space<hbm>> -> memref<16384x64xf32, #tpu.memory_space<hbm>>
        tpu.enqueue_indirect_dma source(%dma_start3A_254 : memref<16384x64xf32, #tpu.memory_space<hbm>>) target(%dma_start3A_250 : memref<128x64xf32, #tpu.memory_space<vmem>>) offsets(%dma_start3A_251 : memref<128xi32, #tpu.memory_space<vmem>>) semaphore(%arg11 : memref<!tpu.dma_semaphore, #tpu.memory_space<semaphore_mem>>)
        %dma_wait3A = arith.constant 0 : i32
        %dma_wait3A_255 = arith.constant 0 : i32
        %dma_wait3A_256 = arith.constant 0 : i32
        %dma_wait3A_257 = tpu.memref_slice %arg9[%dma_wait3A, %dma_wait3A_255, %dma_wait3A_256] : memref<2x128x64xf32, #tpu.memory_space<vmem>> -> memref<1x128x64xf32, #tpu.memory_space<vmem>>
        %dma_wait3A_258 = tpu.memref_squeeze %dma_wait3A_257 : memref<1x128x64xf32, #tpu.memory_space<vmem>> -> memref<128x64xf32, #tpu.memory_space<vmem>>
        %dma_wait3A_259 = tpu.memref_slice %arg8[%mul3A_235] : memref<16640xi32, #tpu.memory_space<vmem>> -> memref<128xi32, #tpu.memory_space<vmem>>
        %dma_wait3A_260 = arith.constant 0 : i32
        %dma_wait3A_261 = arith.constant 0 : i32
        %dma_wait3A_262 = tpu.memref_slice %arg3[%dma_wait3A_260, %dma_wait3A_261] : memref<16384x64xf32, #tpu.memory_space<hbm>> -> memref<16384x64xf32, #tpu.memory_space<hbm>>
        tpu.wait_indirect_dma semaphore(%arg10 : memref<!tpu.dma_semaphore, #tpu.memory_space<semaphore_mem>>) src(%dma_wait3A_262 : memref<16384x64xf32, #tpu.memory_space<hbm>>) dst(%dma_wait3A_258 : memref<128x64xf32, #tpu.memory_space<vmem>>)
        %dma_start3A_263 = arith.constant 0 : i32
        %dma_start3A_264 = arith.constant 0 : i32
        %dma_start3A_265 = arith.constant 0 : i32
        %dma_start3A_266 = tpu.memref_slice %arg9[%dma_start3A_263, %dma_start3A_264, %dma_start3A_265] : memref<2x128x64xf32, #tpu.memory_space<vmem>> -> memref<1x128x64xf32, #tpu.memory_space<vmem>>
        %dma_start3A_267 = tpu.memref_squeeze %dma_start3A_266 : memref<1x128x64xf32, #tpu.memory_space<vmem>> -> memref<128x64xf32, #tpu.memory_space<vmem>>
        %dma_start3A_268 = tpu.memref_slice %arg7[%mul3A_235] : memref<16640xi32, #tpu.memory_space<vmem>> -> memref<128xi32, #tpu.memory_space<vmem>>
        %dma_start3A_269 = arith.constant 0 : i32
        %dma_start3A_270 = arith.constant 0 : i32
        %dma_start3A_271 = tpu.memref_slice %arg4[%dma_start3A_269, %dma_start3A_270] : memref<16384x64xf32, #tpu.memory_space<hbm>> -> memref<16384x64xf32, #tpu.memory_space<hbm>>
        tpu.enqueue_indirect_dma source(%dma_start3A_267 : memref<128x64xf32, #tpu.memory_space<vmem>>) target(%dma_start3A_271 : memref<16384x64xf32, #tpu.memory_space<hbm>>) offsets(%dma_start3A_268 : memref<128xi32, #tpu.memory_space<vmem>>) semaphore(%arg12 : memref<!tpu.dma_semaphore, #tpu.memory_space<semaphore_mem>>)
        %dma_wait3A_272 = arith.constant 1 : i32
        %dma_wait3A_273 = arith.constant 0 : i32
        %dma_wait3A_274 = arith.constant 0 : i32
        %dma_wait3A_275 = tpu.memref_slice %arg9[%dma_wait3A_272, %dma_wait3A_273, %dma_wait3A_274] : memref<2x128x64xf32, #tpu.memory_space<vmem>> -> memref<1x128x64xf32, #tpu.memory_space<vmem>>
        %dma_wait3A_276 = tpu.memref_squeeze %dma_wait3A_275 : memref<1x128x64xf32, #tpu.memory_space<vmem>> -> memref<128x64xf32, #tpu.memory_space<vmem>>
        %dma_wait3A_277 = tpu.memref_slice %arg8[%add3A_237] : memref<16640xi32, #tpu.memory_space<vmem>> -> memref<128xi32, #tpu.memory_space<vmem>>
        %dma_wait3A_278 = arith.constant 0 : i32
        %dma_wait3A_279 = arith.constant 0 : i32
        %dma_wait3A_280 = tpu.memref_slice %arg3[%dma_wait3A_278, %dma_wait3A_279] : memref<16384x64xf32, #tpu.memory_space<hbm>> -> memref<16384x64xf32, #tpu.memory_space<hbm>>
        tpu.wait_indirect_dma semaphore(%arg11 : memref<!tpu.dma_semaphore, #tpu.memory_space<semaphore_mem>>) src(%dma_wait3A_280 : memref<16384x64xf32, #tpu.memory_space<hbm>>) dst(%dma_wait3A_276 : memref<128x64xf32, #tpu.memory_space<vmem>>)
        %dma_start3A_281 = arith.constant 1 : i32
        %dma_start3A_282 = arith.constant 0 : i32
        %dma_start3A_283 = arith.constant 0 : i32
        %dma_start3A_284 = tpu.memref_slice %arg9[%dma_start3A_281, %dma_start3A_282, %dma_start3A_283] : memref<2x128x64xf32, #tpu.memory_space<vmem>> -> memref<1x128x64xf32, #tpu.memory_space<vmem>>
        %dma_start3A_285 = tpu.memref_squeeze %dma_start3A_284 : memref<1x128x64xf32, #tpu.memory_space<vmem>> -> memref<128x64xf32, #tpu.memory_space<vmem>>
        %dma_start3A_286 = tpu.memref_slice %arg7[%add3A_237] : memref<16640xi32, #tpu.memory_space<vmem>> -> memref<128xi32, #tpu.memory_space<vmem>>
        %dma_start3A_287 = arith.constant 0 : i32
        %dma_start3A_288 = arith.constant 0 : i32
        %dma_start3A_289 = tpu.memref_slice %arg4[%dma_start3A_287, %dma_start3A_288] : memref<16384x64xf32, #tpu.memory_space<hbm>> -> memref<16384x64xf32, #tpu.memory_space<hbm>>
        tpu.enqueue_indirect_dma source(%dma_start3A_285 : memref<128x64xf32, #tpu.memory_space<vmem>>) target(%dma_start3A_289 : memref<16384x64xf32, #tpu.memory_space<hbm>>) offsets(%dma_start3A_286 : memref<128xi32, #tpu.memory_space<vmem>>) semaphore(%arg13 : memref<!tpu.dma_semaphore, #tpu.memory_space<semaphore_mem>>)
        %dma_wait3A_290 = arith.constant 0 : i32
        %dma_wait3A_291 = arith.constant 0 : i32
        %dma_wait3A_292 = arith.constant 0 : i32
        %dma_wait3A_293 = tpu.memref_slice %arg9[%dma_wait3A_290, %dma_wait3A_291, %dma_wait3A_292] : memref<2x128x64xf32, #tpu.memory_space<vmem>> -> memref<1x128x64xf32, #tpu.memory_space<vmem>>
        %dma_wait3A_294 = tpu.memref_squeeze %dma_wait3A_293 : memref<1x128x64xf32, #tpu.memory_space<vmem>> -> memref<128x64xf32, #tpu.memory_space<vmem>>
        %dma_wait3A_295 = tpu.memref_slice %arg7[%mul3A_235] : memref<16640xi32, #tpu.memory_space<vmem>> -> memref<128xi32, #tpu.memory_space<vmem>>
        %dma_wait3A_296 = arith.constant 0 : i32
        %dma_wait3A_297 = arith.constant 0 : i32
        %dma_wait3A_298 = tpu.memref_slice %arg4[%dma_wait3A_296, %dma_wait3A_297] : memref<16384x64xf32, #tpu.memory_space<hbm>> -> memref<16384x64xf32, #tpu.memory_space<hbm>>
        tpu.wait_indirect_dma semaphore(%arg12 : memref<!tpu.dma_semaphore, #tpu.memory_space<semaphore_mem>>) src(%dma_wait3A_294 : memref<128x64xf32, #tpu.memory_space<vmem>>) dst(%dma_wait3A_298 : memref<16384x64xf32, #tpu.memory_space<hbm>>)
        %dma_wait3A_299 = arith.constant 1 : i32
        %dma_wait3A_300 = arith.constant 0 : i32
        %dma_wait3A_301 = arith.constant 0 : i32
        %dma_wait3A_302 = tpu.memref_slice %arg9[%dma_wait3A_299, %dma_wait3A_300, %dma_wait3A_301] : memref<2x128x64xf32, #tpu.memory_space<vmem>> -> memref<1x128x64xf32, #tpu.memory_space<vmem>>
        %dma_wait3A_303 = tpu.memref_squeeze %dma_wait3A_302 : memref<1x128x64xf32, #tpu.memory_space<vmem>> -> memref<128x64xf32, #tpu.memory_space<vmem>>
        %dma_wait3A_304 = tpu.memref_slice %arg7[%add3A_237] : memref<16640xi32, #tpu.memory_space<vmem>> -> memref<128xi32, #tpu.memory_space<vmem>>
        %dma_wait3A_305 = arith.constant 0 : i32
        %dma_wait3A_306 = arith.constant 0 : i32
        %dma_wait3A_307 = tpu.memref_slice %arg4[%dma_wait3A_305, %dma_wait3A_306] : memref<16384x64xf32, #tpu.memory_space<hbm>> -> memref<16384x64xf32, #tpu.memory_space<hbm>>
        tpu.wait_indirect_dma semaphore(%arg13 : memref<!tpu.dma_semaphore, #tpu.memory_space<semaphore_mem>>) src(%dma_wait3A_303 : memref<128x64xf32, #tpu.memory_space<vmem>>) dst(%dma_wait3A_307 : memref<16384x64xf32, #tpu.memory_space<hbm>>)
      }
    } else {
    }
    return
  }
}

</mosaic_0001>

<sc_bundles>
// kernel: kernel.3.cloned.1.call-start
scs
__scs_entry_jumppad:
0x0: {  	(pc) =	sbr.rel $0x88, $3  }
0x1: {  	(tag) =	ssettag $0x0;
	lr =	simm.s32 $0x1  }
0x2: {  	[smem:$0x3F9F] =	sst lr;
	_ =	strace $0xD0000000  }
0x3: {  	_ = 	snop  }
0x4: {  	_ = 	snop  }
0x5: {  	_ = 	snop  }
0x6: {  	_ = 	snop  }
0x7: {  	_ = 	snop  }
__scs_overlays_trampoline_lowered:
0x8: {  	[smem:$0x3FAE] =	sst s0  }
0x9: {  	[smem:$0x3FAF] =	sst s1  }
0xa: {  	[smem:$0x3FB0] =	sst s2  }
0xb: {  	[smem:$0x3FB1] =	sst s3  }
0xc: {  	[smem:$0x3FB2] =	sst s4  }
0xd: {  	[smem:$0x3FB3] =	sst s5  }
0xe: {  	[smem:$0x3FB4] =	sst s6  }
0xf: {  	[smem:$0x3FB5] =	sst s7  }
0x10: {  	[smem:$0x3FB6] =	sst s8  }
0x11: {  	[smem:$0x3FB7] =	sst s9;
	s0 =	simm.s32 @!p0 $0x0  }
0x12: {  	s1 =	sld [smem:$0x3F9D];
	s0 =	simm.s32 @p0 $0x1  }
0x13: {  	[smem:$0x3FB8] =	sst s0;
	s0 =	simm.s32 @!p1 $0x0  }
0x14: {  	s2 =	sld [smem:$0x3F9C];
	s0 =	simm.s32 @p1 $0x1  }
0x15: {  	[smem:$0x3FB9] =	sst s0;
	s0 =	simm.s32 @!p2 $0x0  }
0x16: {  	s3 =	sld [smem:$0x3FDB];
	s0 =	simm.s32 @p2 $0x1  }
0x17: {  	s4 =	simm.s32 $0x1BF5;
	[smem:$0x3FBB] =	sst s0  }
0x18: {  	s0 =	sld [smem:$0x3F9E];
	_ =	swait.ge [sflag:s4], $0x0  }
0x19: {  	s7 =	sld [smem:$0x3F9F]  }
0x1a: {  	s8 =	sadd.s32 $0xFFFFE003, lr  }
0x1b: {  	s9 =	sadd.s32 $0xFFFFFEF7, lr;
	s5 =	simm.s32 $0xFFFFFFFF;
	p2 =	slt.u32 s8, $0xFFFFF086  }
0x1c: {  	p1 =	slt.u32 s9, $0xF7A;
	s5 =	simm.s32 @!p2 $0x0  }
0x1d: {  	s5 =	simm.s32 @p1 $0x1;
	p0 =	seq.s32 s7, s2  }
0x1e: {  	s7 =	smul.u32 @!p0 $0xF7A, s2;
	p2 =	seq.s32 @!p0 s5, $0x0  }
0x1f: {  	s9 =	smul.u32 $0xF7A, s1;
	s8 =	simm.s32 @!p0 $0x1BF5;
	p2 =	por !p2, p0  }
0x20: {  	[sflag:s8] =	ssyncset.s32 @!p0 $0xFFFFF086;
	s6 =	sadd.s32 @!p0 s3, s7;
	s7 =	simm.s32 @!p0 $0x108  }
0x21: {  	s3 =	sadd.s32 s3, s9;
	s6 =	sadd.s32 @!p0 $0x88, s6;
	s7 =	simm.s32 @p2 $0x1082  }
0x22: {  	[simem:s7], [sflag:s8] =	dma.local @!p0 [hbm:s6], $0xF7A  }
0x23: {  	s9 =	sor.u32 $0xD0000000, s2;
	s6 =	simm.s32 $0x108;
	_ =	swait.ge @!p0 [sflag:s8], $0x0  }
0x24: {  	s3 =	sadd.s32 $0x88, s3;
	s6 =	simm.s32 @!p1 $0x1082;
	[sflag:s4] =	ssyncset.s32 $0xFFFFF086  }
0x25: {  	[simem:s6], [sflag:s4] =	dma.local [hbm:s3], $0xF7A  }
0x26: {  	[smem:$0x3F9F] =	sst s1;
	(tag) =	ssettag s2;
	_ =	strace s9  }
0x27: {  	s1 =	sld [smem:$0x3FAF]  }
0x28: {  	s2 =	sld [smem:$0x3FB0]  }
0x29: {  	s4 =	sld [smem:$0x3FB2]  }
0x2a: {  	p0 =	seq.s32 s5, $0x0;
	s5 =	sld [smem:$0x3FB3]  }
0x2b: {  	s6 =	sld [smem:$0x3FB4]  }
0x2c: {  	s7 =	sld [smem:$0x3FB5]  }
0x2d: {  	s3 =	simm.s32 $0x108;
	s8 =	sld [smem:$0x3FB6]  }
0x2e: {  	s3 =	simm.s32 @!p0 $0x1082;
	s9 =	sld [smem:$0x3FB7]  }
0x2f: {  	lr =	sadd.s32 s0, s3;
	s0 =	sld [smem:$0x3FAE]  }
0x30: {  	s3 =	sld [smem:$0x3FB1]  }
0x31: {  	[smem:$0x3FBA] =	sst s10  }
0x32: {  	s10 =	sld [smem:$0x3FB8];
	_ =	sdelay $0x3  }
0x33: {  	p0 =	seq.s32 s10, $0x1;
	s10 =	sld [smem:$0x3FBA];
	_ =	sdelay $0x3  }
0x34: {  	[smem:$0x3FBA] =	sst s10  }
0x35: {  	s10 =	sld [smem:$0x3FB9];
	_ =	sdelay $0x3  }
0x36: {  	p1 =	seq.s32 s10, $0x1;
	s10 =	sld [smem:$0x3FBA];
	_ =	sdelay $0x3  }
0x37: {  	[smem:$0x3FBA] =	sst s10  }
0x38: {  	s10 =	sld [smem:$0x3FBB]  }
0x39: {  	_ = 	snop;
	(pc) =	sbr.ind lr, $3  }
0x3a: {  	_ = 	snop  }
0x3b: {  	_ = 	snop  }
0x3c: {  	p2 =	seq.s32 s10, $0x1;
	s10 =	sld [smem:$0x3FBA]  }
0x3d: {  	_ =	shalt  }
0x3e: {  	_ =	shalt  }
0x3f: {  	_ =	shalt  }
0x40: {  	_ =	shalt  }
0x41: {  	_ =	shalt  }
0x42: {  	_ =	shalt  }
0x43: {  	_ =	shalt  }
0x44: {  	_ =	shalt  }
0x45: {  	_ =	shalt  }
0x46: {  	_ =	shalt  }
0x47: {  	_ =	shalt  }
0x48: {  	_ =	shalt  }
0x49: {  	_ =	shalt  }
0x4a: {  	_ =	shalt  }
0x4b: {  	_ =	shalt  }
0x4c: {  	_ =	shalt  }
0x4d: {  	_ =	shalt  }
0x4e: {  	_ =	shalt  }
0x4f: {  	_ =	shalt  }
0x50: {  	_ =	shalt  }
0x51: {  	_ =	shalt  }
0x52: {  	_ =	shalt  }
0x53: {  	_ =	shalt  }
0x54: {  	_ =	shalt  }
0x55: {  	_ =	shalt  }
0x56: {  	_ =	shalt  }
0x57: {  	_ =	shalt  }
0x58: {  	_ =	shalt  }
0x59: {  	_ =	shalt  }
0x5a: {  	_ =	shalt  }
0x5b: {  	_ =	shalt  }
0x5c: {  	_ =	shalt  }
0x5d: {  	_ =	shalt  }
0x5e: {  	_ =	shalt  }
0x5f: {  	_ =	shalt  }
0x60: {  	_ =	shalt  }
0x61: {  	_ =	shalt  }
0x62: {  	_ =	shalt  }
0x63: {  	_ =	shalt  }
0x64: {  	_ =	shalt  }
0x65: {  	_ =	shalt  }
0x66: {  	_ =	shalt  }
0x67: {  	_ =	shalt  }
0x68: {  	_ =	shalt  }
0x69: {  	_ =	shalt  }
0x6a: {  	_ =	shalt  }
0x6b: {  	_ =	shalt  }
0x6c: {  	_ =	shalt  }
0x6d: {  	_ =	shalt  }
0x6e: {  	_ =	shalt  }
0x6f: {  	_ =	shalt  }
0x70: {  	_ =	shalt  }
0x71: {  	_ =	shalt  }
0x72: {  	_ =	shalt  }
0x73: {  	_ =	shalt  }
0x74: {  	_ =	shalt  }
0x75: {  	_ =	shalt  }
0x76: {  	_ =	shalt  }
0x77: {  	_ =	shalt  }
0x78: {  	_ =	shalt  }
0x79: {  	_ =	shalt  }
0x7a: {  	_ =	shalt  }
0x7b: {  	_ =	shalt  }
0x7c: {  	_ =	shalt  }
0x7d: {  	_ =	shalt  }
0x7e: {  	_ =	shalt  }
0x7f: {  	_ =	shalt  }
0x80: {  	_ =	shalt  }
0x81: {  	_ =	shalt  }
0x82: {  	_ =	shalt  }
0x83: {  	_ =	shalt  }
0x84: {  	_ =	shalt  }
0x85: {  	_ =	shalt  }
0x86: {  	_ =	shalt  }
0x87: {  	_ =	shalt  }
.Lfunc_end0:
.L_simem_size_0:
called_computation_lowered:
.L_overlay_start_0:
0x88: {  	s2 =	sld [smem:$0x3FD9]  }
0x89: {  	s3 =	sld [smem:$0x3FFE];
	_ =	sdelay $0x1  }
0x8a: {  	s1 =	srdreg.scid  }
0x8b: {  	s0 =	sand.u32 $0x1, s1  }
0x8c: {  	s17 =	sshll.u32 s0, $0xA;
	s2 =	sadd.s32 s3, s2  }
0x8d: {  	s2 =	sadd.s32 s2, s17  }
0x8e: {  	[smem:$0x3FC6] =	sst s2  }
0x8f: {  	_ = 	snop  }
0x90: {  	s2 =	sld [smem:$0x3FC9]  }
0x91: {  	s18 =	sld [smem:$0x3FD0];
	(tm) =	ssettm $0x1  }
0x92: {  	s4 =	sld [smem:$0x3FFB];
	_ =	sdelay $0x3  }
0x93: {  	_ =	strace s4  }
0x94: {  	s4 =	sld [smem:$0x3FFC];
	_ =	sdelay $0x3  }
0x95: {  	_ =	strace s4  }
0x96: {  	s4 =	sld [smem:$0x3FFD];
	_ =	sdelay $0x3  }
0x97: {  	_ =	strace s4  }
0x98: {  	_ =	strace $0x8FFFFFFF  }
0x99: {  	s19 =	sld [smem:$0x3FDB];
	_ =	sdelay $0x1  }
0x9a: {  	s5 =	simm.s32 $_scs_section_size  }
0x9b: {  	s6 =	simm.s32 $_size__tile_overlayer_lowered;
	s7 =	simm.s32 $_tile_overlayer_lowered  }
0x9c: {  	s22 =	simm.s32 $0x1BFF;
	s21 =	sshll.u32 s7, $0x1;
	s4 =	sadd.s32 s5, s19  }
0x9d: {  	s8 =	simm.s32 $0x0;
	s20 =	sshll.u32 s6, $0x1;
	s6 =	sadd.s32 s21, s4  }
0x9e: {  	[timem:s8], [sflag:s22] =	dma.local [hbm:s6], s20  }
0x9f: {  	_ =	swait.ge [sflag:s22], s20  }
0xa0: {  	s5 =	ssub.s32 $0x0, s20;
	[sflag:s22] =	ssyncset.done $0x0  }
0xa1: {  	[sflag:s22] =	ssyncadd.s32 s5;
	_ =	sdelay $0x1  }
0xa2: {  	s23 =	simm.s32 $0x1B8B  }
0xa3: {  	_ =	swait.ge [sflag:s23], $0x1  }
0xa4: {  	[sflag:s23] =	ssyncset.done $0x0  }
0xa5: {  	s25 =	simm.s32 $0x1B8E;
	s24 =	sld [smem:$0x3FFE];
	[sflag:s23] =	ssyncadd.s32 $0xFFFFFFFF  }
0xa6: {  	s26 =	simm.s32 $execute0_lowered;
	[smem:$0x3FD2] =	sst s25  }
0xa7: {  	s6 =	sshll.u32 s26, $0x1;
	_ =	strace $0x80000046;
	[dreg:$0x1] =	wrdreg $0xFFFFFFFF  }
0xa8: {  	s28 =	simm.s32 $_size_execute0_lowered;
	s4 =	sadd.s32 s4, s6;
	[dreg:$0x0] =	wrdreg $0x0  }
0xa9: {  	s6 =	sshll.u32 s28, $0x1;
	[dreg:$0x2] =	wrdreg s4  }
0xaa: {  	[dreg:$0x3] =	wrdreg s6  }
0xab: {  	[dreg:$0x4] =	wrdreg $0xC0  }
0xac: {  	_ =	task [dreg:s8], $0x5FFFF  }
0xad: {  	[dreg:$0x1] =	wrdreg $0xFFFFFFFF  }
0xae: {  	[dreg:$0x0] =	wrdreg $0x60  }
0xaf: {  	[dreg:$0x2] =	wrdreg s2  }
0xb0: {  	[dreg:$0x3] =	wrdreg s18  }
0xb1: {  	[dreg:$0x4] =	wrdreg s24  }
0xb2: {  	[dreg:$0x5] =	wrdreg $0x9  }
0xb3: {  	_ =	task.clear_ibuf [dreg:s8], $0x6FFFF;
	_ =	strace $0x90000046  }
0xb4: {  	s29 =	simm.s32 $0x9;
	_ =	strace $0x80000048  }
0xb5: {  	_ =	swait.ge [sflag:s29], $0x1  }
0xb6: {  	[sflag:s29] =	ssyncadd.s32 $0xFFFFFFFF  }
0xb7: {  	_ =	strace $0x90000048  }
0xb8: {  	_ =	sfence  }
0xb9: {  	s30 =	sld [smem:$0x0];
	_ =	sdelay $0x2  }
0xba: {  	s31 =	sshll.u32 s1, $0xD;
	s1 =	sshrl.u32 s1, $0x2  }
0xbb: {  	s3 =	sand.u32 $0x4000, s31;
	s1 =	sadd.s32 s1, s30  }
0xbc: {  	s0 =	sor.u32 s3, s0;
	s1 =	sshll.u32 s1, $0x11  }
0xbd: {  	s0 =	sor.u32 s1, s0  }
0xbe: {  	s0 =	sadd.s32 $0x8F2B, s0  }
0xbf: {  	[sflag:s0] =	ssyncadd.remote.s32 $0x1  }
0xc0: {  	_ =	sfence.sel $0xFFFF  }
0xc1: {  	[dreg:$0x0] =	wrdreg $0xFFFFFFFF;
	(pc) =	sbr.abs _section_cstart, $3  }
0xc2: {  	[dreg:$0x1] =	wrdreg $0xFFFFFFFF  }
0xc3: {  	_ =	task.clear_ibuf [dreg:s8], $0x2FFFF;
	_ =	strace $0x9FFFFFFF  }
0xc4: {  	(tm) =	ssettm $0x7FFFFFFF  }
0xc5: {  	_ =	shalt  }
tec
execute0_lowered:
.L_overlay_start_1:
0x0: {  	(tag) =	ssettag $0x1  }
0x1: {  	s1 =	srdreg.scid;
	s2 =	rddreg [dreg:$0x0]  }
0x2: {  	s0 =	stileid.u32;
	s5 =	rddreg [dreg:$0x2]  }
0x3: {  	s8 =	simm.s32 $0x4000;
	s9 =	simm.s32 $0x1;
	s10 =	simm.s32 $0x80  }
0x4: {  	v1 =	vlaneseq.u32;
	s11 =	simm.s32 $0x13C18;
	s12 =	simm.s32 $0x15C18;
	s13 =	simm.s32 $0x2  }
0x5: {  	v2 =	vimm.s32 $0x0;
	s14 =	simm.s32 $0x3;
	s15 =	simm.s32 $0x4;
	s16 =	simm.s32 $0x0;
	v3 =	vor.u32 $0x10, v1  }
.Ltmp0:
0x6: {  	s1 =	sand.u32 $0x1, s1;
	s3 =	sshll.u32 s0, $0x1;
	v4 =	vor.u32 $0x20, v1;
	v5 =	vor.u32 $0x30, v1;
	v6 =	vor.u32 $0x40, v1;
	(pc) =	sbr.rel .LBB2_1-.Ltmp0, $4  }
0x7: {  	v7 =	vor.u32 $0x50, v1;
	v8 =	vor.u32 $0x60, v1;
	v9 =	vor.u32 $0x70, v1;
	s4 =	sor.u32 s1, s3;
	s3 =	rddreg [dreg:$0x1];
	s6 =	ssub.s32 $0x2, s1  }
0x8: {  	v10 =	vor.u32 $0x80, v1;
	v11 =	vor.u32 $0x90, v1;
	v12 =	vor.u32 $0xA0, v1;
	s1 =	rddreg [dreg:$0x3];
	s4 =	smul.u32 $0x7A12, s4;
	s7 =	sshrl.u32 s6, $0x1  }
0x9: {  	v13 =	vor.u32 $0xB0, v1;
	v14 =	vor.u32 $0xC0, v1;
	v15 =	vor.u32 $0xD0, v1;
	_ =	strace $0x80000047;
	s31 =	ssub.s32 s6, s7;
	s6 =	simm.s32 $0x0  }
0xa: {  	v16 =	vor.u32 $0xE0, v1;
	v17 =	vor.u32 $0xF0, v1;
	s7 =	simm.s32 $0x5;
	v0 =	vmov s4;
	s4 =	sadd.s32 $0x400, s5;
	s5 =	smax.u32 s31, $0x1  }
.LBB2_8:
0xb: {  	s19 =	simm.s32 $0xBA98  }
.LBB2_12:
0xc: {  	s20 =	sadd.s32 $0xFFFFFF80, s18;
	[sflag:s15] =	ssyncadd.s32 @p0 $0xFFFFE000  }
0xd: {  	[tilespmem:s11], [sflag:$0x1] =	stream.indirect.gather [hbm4b:s3+s10], $0x40, s20, s10, $0xb8;
	[tilespmem:$0x17C18] =	vst v63  }
0xe: {  	_ = 	snop  }
0xf: {  	[tilespmem:s12], [sflag:$0x2] =	stream.indirect.gather [hbm4b:s3+s10], $0x40, s18, s10, $0xb8;
	[tilespmem:$0x17C18] =	vst v63  }
0x10: {  	s18 =	sadd.s32 @p0 $0x100, s19;
	_ =	swait.ge [sflag:s9], $0x2000  }
0x11: {  	s17 =	smov.u32 @p0 s18;
	[sflag:s9] =	ssyncset.done $0x0  }
0x12: {  	s18 =	sadd.s32 $0xFFFFFF80, s17;
	[sflag:s9] =	ssyncadd.s32 $0xFFFFE000  }
0x13: {  	[hbm4b:s4+s10] =	stream.indirect.scatter [tilespmem:s11], [sflag:$0x3], $0x40, s18, s10, $0xb8;
	[tilespmem:$0x17C18] =	vst v63  }
0x14: {  	_ =	swait.ge [sflag:s13], $0x2000  }
0x15: {  	[sflag:s13] =	ssyncset.done $0x0  }
0x16: {  	[sflag:s13] =	ssyncadd.s32 $0xFFFFE000  }
0x17: {  	[hbm4b:s4+s10] =	stream.indirect.scatter [tilespmem:s12], [sflag:$0x4], $0x40, s17, s10, $0xb8;
	[tilespmem:$0x17C18] =	vst v63  }
0x18: {  	_ =	swait.ge [sflag:s14], $0x2000  }
0x19: {  	[sflag:s14] =	ssyncset.done $0x0  }
0x1a: {  	[sflag:s14] =	ssyncadd.s32 $0xFFFFE000  }
0x1b: {  	_ =	swait.ge [sflag:s15], $0x2000  }
0x1c: {  	[sflag:s15] =	ssyncset.done $0x0  }
0x1d: {  	[sflag:s15] =	ssyncadd.s32 $0xFFFFE000  }
.LBB2_13:
0x1e: {  	s16 =	sadd.s32 $0x1, s16  }
0x1f: {  	p0 =	sne.s32 s16, s5  }
.Ltmp1:
0x20: {  	_ = 	snop;
	(pc) =	sbr.rel @!p0 .LBB2_14-.Ltmp1, $1  }
0x21: {  	_ =	sdelay $0x3  }
.LBB2_1:
0x22: {  	[tilespmem:s6], [sflag:$0x5] =	stream.linear.gather [hbm4b:s2+s6], $0x4000, $0x38;
	[tilespmem:$0x17C18] =	vst v63  }
0x23: {  	_ =	swait.ge [sflag:s7], $0x4000  }
0x24: {  	[sflag:s7] =	ssyncset.done $0x0  }
0x25: {  	s17 =	simm.s32 $0x10;
	[sflag:s7] =	ssyncadd.s32 $0xFFFFC000  }
0x26: {  	v18 =	vld [tilespmem:s17+$0xFFFFFFF0];
	_ =	sdelay $0x4  }
0x27: {  	v18 =	vsub.s32 v18, v0  }
0x28: {  	vm0 =	vlt.u32 v18, $0x7A12  }
0x29: {  	v19 =	vsel vm0, $0x1, v2  }
0x2a: {  	(xrf0) =	vadd.scan.msk.s32 $0xffff, v19;
	_ =	sdelay $0x1  }
0x2b: {  	s18 =	simm.s32 $0x0  }
0x2c: {  	v19 =	vor.u32 s18, v1  }
0x2d: {  	[tilespmem:v18+s8+$0x0] =	vst.idx.msk vm0, v19  }
0x2e: {  	[tilespmem:s6+$0xBA18] =	vst.msk vm0, v19  }
0x2f: {  	v18 =	vld [tilespmem:s17+$0x0];
	v19, _, _ =	vpop (xrf0)  }
0x30: {  	(v2sf) =	vpush v19, $0xF;
	_ =	sdelay $0x3  }
0x31: {  	v18 =	vsub.s32 v18, v0  }
0x32: {  	vm0 =	vlt.u32 v18, $0x7A12  }
0x33: {  	v19 =	vsel vm0, $0x1, v2  }
0x34: {  	(xrf0) =	vadd.scan.msk.s32 $0xffff, v19;
	_ =	sdelay $0x5  }
0x35: {  	v19, _, _ =	vpop (xrf0)  }
0x36: {  	(v2sf) =	vpush v19, $0xF  }
0x37: {  	v19 =	vor.u32 s17, v1;
	s30 =	spop (v2sf)  }
0x38: {  	[tilespmem:v18+s8+$0x0] =	vst.idx.msk vm0, v19;
	s20 =	sadd.s32 $0x0, s30  }
0x39: {  	s18 =	simm.s32 $0x30;
	[tilespmem:s20+$0xBA18] =	vst.msk vm0, v19  }
0x3a: {  	v18 =	vld [tilespmem:s18+$0xFFFFFFF0];
	_ =	sdelay $0x4  }
0x3b: {  	v18 =	vsub.s32 v18, v0  }
0x3c: {  	vm0 =	vlt.u32 v18, $0x7A12  }
0x3d: {  	v19 =	vsel vm0, $0x1, v2  }
0x3e: {  	(xrf0) =	vadd.scan.msk.s32 $0xffff, v19;
	_ =	sdelay $0x1  }
0x3f: {  	s31 =	simm.s32 $0x20  }
0x40: {  	s19 =	simm.s32 $0x2;
	s17 =	simm.s32 $0x30;
	v19 =	vor.u32 s31, v1;
	s21 =	spop (v2sf)  }
.LBB2_2:
0x41: {  	s19 =	sadd.s32 $0x2, s19;
	[tilespmem:v18+s8+$0x0] =	vst.idx.msk vm0, v19;
	s20 =	sadd.s32 s20, s21  }
0x42: {  	p0 =	slt.u32 s19, $0x3FE;
	[tilespmem:s20+$0xBA18] =	vst.msk vm0, v19  }
0x43: {  	v18 =	vld [tilespmem:s18+$0x0];
	v19, _, _ =	vpop (xrf0)  }
0x44: {  	(v2sf) =	vpush v19, $0xF;
	_ =	sdelay $0x3  }
0x45: {  	v18 =	vsub.s32 v18, v0  }
0x46: {  	vm0 =	vlt.u32 v18, $0x7A12  }
0x47: {  	v19 =	vsel vm0, $0x1, v2  }
0x48: {  	(xrf0) =	vadd.scan.msk.s32 $0xffff, v19;
	_ =	sdelay $0x2  }
0x49: {  	v19 =	vor.u32 s17, v1  }
0x4a: {  	[tilespmem:v18+s8+$0x0] =	vst.idx.msk vm0, v19;
	_ =	sdelay $0x1  }
0x4b: {  	v18, _, _ =	vpop (xrf0)  }
0x4c: {  	(v2sf) =	vpush v18, $0xF  }
0x4d: {  	s21 =	spop (v2sf)  }
0x4e: {  	s20 =	sadd.s32 s20, s21  }
0x4f: {  	s18 =	sadd.s32 $0x20, s18;
	[tilespmem:s20+$0xBA18] =	vst.msk vm0, v19  }
0x50: {  	v18 =	vld [tilespmem:s18+$0xFFFFFFF0];
	_ =	sdelay $0x4  }
0x51: {  	v18 =	vsub.s32 v18, v0  }
0x52: {  	vm0 =	vlt.u32 v18, $0x7A12  }
.Ltmp2:
0x53: {  	v19 =	vsel vm0, $0x1, v2;
	(pc) =	sbr.rel @p0 .LBB2_2-.Ltmp2, $4  }
0x54: {  	(xrf0) =	vadd.scan.msk.s32 $0xffff, v19  }
0x55: {  	s17 =	sadd.s32 $0x20, s17  }
0x56: {  	s21 =	sadd.s32 $0xFFFFFFF0, s17  }
0x57: {  	v19 =	vor.u32 s21, v1;
	s21 =	spop (v2sf)  }
0x58: {  	_ =	sdelay $0x4  }
0x59: {  	[tilespmem:v18+s8+$0x0] =	vst.idx.msk vm0, v19;
	s19 =	sadd.s32 s20, s21  }
0x5a: {  	[tilespmem:s19+$0xBA18] =	vst.msk vm0, v19  }
0x5b: {  	v18 =	vld [tilespmem:s18+$0x0];
	_ =	sdelay $0x4  }
0x5c: {  	v18 =	vsub.s32 v18, v0  }
0x5d: {  	vm15 =	vlt.u32 v18, $0x7A12  }
0x5e: {  	v19 =	vsel vm15, $0x1, v2  }
0x5f: {  	(xrf0) =	vadd.scan.msk.s32 $0xffff, v19;
	_ =	sdelay $0x4  }
0x60: {  	v19, _, _ =	vpop (xrf0)  }
0x61: {  	(v2sf) =	vpush v19, $0xF;
	v19, _, _ =	vpop (xrf0)  }
0x62: {  	(v2sf) =	vpush v19, $0xF;
	_ =	sdelay $0xd  }
0x63: {  	s30 =	spop (v2sf)  }
0x64: {  	s19 =	sadd.s32 s19, s30;
	s31 =	spop (v2sf)  }
0x65: {  	s18 =	sadd.s32 s19, s31  }
0x66: {  	p0 =	slt.s32 s18, $0x1  }
.Ltmp3:
0x67: {  	_ = 	snop;
	(pc) =	sbr.rel @p0 .LBB2_13-.Ltmp3, $4  }
0x68: {  	_ = 	snop  }
0x69: {  	v19 =	vor.u32 s17, v1  }
0x6a: {  	[tilespmem:v18+s8+$0x0] =	vst.idx.msk vm15, v19  }
0x6b: {  	[tilespmem:s19+$0xBA18] =	vst.msk vm15, v19  }
0x6c: {  	s17 =	sand.u32 $0xFF, s18  }
0x6d: {  	p0 =	seq.s32 s17, $0x0;
	s19 =	ssub.s32 $0x100, s17  }
0x6e: {  	s19 =	simm.s32 @p0 $0x0  }
0x6f: {  	v18 =	vmov s19  }
0x70: {  	s17 =	simm.s32 $0xBA18;
	vm0 =	vgt.u32 v18, v1  }
0x71: {  	v20 =	vadd.s32 s18, v1;
	s20 =	sadd.s32 $0x10, s18;
	v19 =	vld.msk [tilespmem:s17+$0x0], $0xffff;
	vm1 =	vgt.u32 v18, v3  }
0x72: {  	s28 =	sadd.s32 $0x20, s18;
	v21 =	vadd.s32 s20, v1;
	vm2 =	vgt.u32 v18, v4  }
0x73: {  	s29 =	sadd.s32 $0x30, s18;
	v22 =	vadd.s32 s28, v1;
	vm3 =	vgt.u32 v18, v5  }
0x74: {  	s30 =	sadd.s32 $0x40, s18;
	v23 =	vadd.s32 s29, v1;
	vm4 =	vgt.u32 v18, v6  }
0x75: {  	s31 =	sadd.s32 $0x50, s18;
	v24 =	vadd.s32 s30, v1;
	vm5 =	vgt.u32 v18, v7  }
0x76: {  	s21 =	sadd.s32 $0x60, s18;
	v54 =	vadd.s32 s31, v1;
	vm14 =	vgt.u32 v18, v8;
	[tilespmem:v20+s17+$0x0] =	vst.idx.msk vm0, v19  }
0x77: {  	s22 =	sadd.s32 $0x70, s18;
	s23 =	sadd.s32 $0x80, s18;
	v55 =	vadd.s32 s21, v1;
	vm15 =	vgt.u32 v18, v9;
	[tilespmem:v21+s17+$0x0] =	vst.idx.msk vm1, v19  }
0x78: {  	s24 =	sadd.s32 $0x90, s18;
	s25 =	sadd.s32 $0xA0, s18;
	s26 =	sadd.s32 $0xB0, s18;
	v56 =	vadd.s32 s22, v1;
	vm8 =	vgt.u32 v18, v10;
	[tilespmem:v22+s17+$0x0] =	vst.idx.msk vm2, v19  }
0x79: {  	v57 =	vadd.s32 s23, v1;
	s28 =	sadd.s32 $0xC0, s18;
	s29 =	sadd.s32 $0xD0, s18;
	s19 =	sadd.s32 s18, s19;
	vm9 =	vgt.u32 v18, v11;
	[tilespmem:v23+s17+$0x0] =	vst.idx.msk vm3, v19  }
0x7a: {  	v58 =	vadd.s32 s24, v1;
	s30 =	sadd.s32 $0xE0, s18;
	s21 =	sadd.s32 $0xF0, s18;
	vm10 =	vgt.u32 v18, v12;
	s22 =	sand.u32 $0xF, s19;
	[tilespmem:v24+s17+$0x0] =	vst.idx.msk vm4, v19  }
0x7b: {  	v59 =	vadd.s32 s25, v1;
	vm11 =	vgt.u32 v18, v13;
	s18 =	sshra.s32 s19, $0x1F;
	p0 =	slt.s32 s19, $0x1;
	p1 =	sne.s32 s22, $0x0;
	[tilespmem:v54+s17+$0x0] =	vst.idx.msk vm5, v19  }
0x7c: {  	v60 =	vadd.s32 s26, v1;
	vm12 =	vgt.u32 v18, v14;
	s31 =	sshrl.u32 s18, $0x1C;
	p1 =	por !p0, !p1;
	[tilespmem:v55+s17+$0x0] =	vst.idx.msk vm14, v19  }
0x7d: {  	v61 =	vadd.s32 s28, v1;
	v63 =	vadd.s32 s21, v1;
	s21 =	simm.s32 $0x1;
	vm13 =	vgt.u32 v18, v15;
	s20 =	sadd.s32 s31, s19;
	p1 =	por !p1, !p1;
	[tilespmem:v56+s17+$0x0] =	vst.idx.msk vm15, v19  }
0x7e: {  	v62 =	vadd.s32 s29, v1;
	s20 =	sshra.s32 s20, $0x4;
	s21 =	simm.s32 @!p1 $0x0;
	vm14 =	vgt.u32 v18, v16;
	[tilespmem:v57+s17+$0x0] =	vst.idx.msk vm8, v19  }
0x7f: {  	s20 =	ssub.s32 s20, s21;
	vm15 =	vgt.u32 v18, v17;
	v18 =	vadd.s32 s30, v1;
	[tilespmem:v58+s17+$0x0] =	vst.idx.msk vm9, v19  }
0x80: {  	p1 =	slt.s32 s20, $0x1;
	[tilespmem:v59+s17+$0x0] =	vst.idx.msk vm10, v19  }
.Ltmp4:
0x81: {  	[tilespmem:v60+s17+$0x0] =	vst.idx.msk vm11, v19;
	(pc) =	sbr.rel @p1 .LBB2_6-.Ltmp4, $4  }
0x82: {  	[tilespmem:v61+s17+$0x0] =	vst.idx.msk vm12, v19  }
0x83: {  	[tilespmem:v62+s17+$0x0] =	vst.idx.msk vm13, v19  }
0x84: {  	[tilespmem:v18+s17+$0x0] =	vst.idx.msk vm14, v19  }
0x85: {  	s21 =	simm.s32 $0xFB18;
	[tilespmem:v63+s17+$0x0] =	vst.idx.msk vm15, v19  }
.LBB2_5:
0x86: {  	v18 =	vld [tilespmem:s17+$0x0];
	_ =	sdelay $0x7  }
0x87: {  	v18 =	vld.idx.msk [tilespmem:v18+s6+$0x0], $0xffff;
	_ =	sdelay $0x4  }
0x88: {  	v18 =	vsub.s32 v18, v0;
	_ =	sdelay $0x4  }
0x89: {  	p1 =	sne.s32 s20, $0x1;
	v18 =	vld.idx.msk [tilespmem:v18+s8+$0x0], $0xffff  }
.Ltmp5:
0x8a: {  	_ = 	snop;
	(pc) =	sbr.rel @p1 .LBB2_5-.Ltmp5, $2  }
0x8b: {  	_ =	sdelay $0x2  }
0x8c: {  	s17 =	sadd.s32 $0x10, s17;
	s20 =	sadd.s32 $0xFFFFFFFF, s20;
	[tilespmem:s21+$0x0] =	vst v18;
	s21 =	sadd.s32 $0x10, s21  }
.LBB2_6:
0x8d: {  	s17 =	sand.u32 $0xFF, s19  }
0x8e: {  	p1 =	sne.s32 s17, $0x0  }
0x8f: {  	s31 =	sshrl.u32 s18, $0x18;
	p0 =	por !p0, !p1  }
0x90: {  	s18 =	simm.s32 $0x1;
	s17 =	sadd.s32 s31, s19;
	p0 =	por !p0, !p0  }
0x91: {  	s17 =	sshra.s32 s17, $0x8;
	s18 =	simm.s32 @!p0 $0x0  }
0x92: {  	s19 =	ssub.s32 s17, s18  }
0x93: {  	p0 =	slt.s32 s19, $0x1  }
.Ltmp6:
0x94: {  	_ = 	snop;
	(pc) =	sbr.rel @p0 .LBB2_13-.Ltmp6, $1  }
0x95: {  	_ =	sdelay $0x3  }
0x96: {  	p1 =	sne.s32 s19, $0x1  }
.Ltmp7:
0x97: {  	_ = 	snop;
	(pc) =	sbr.rel @!p1 .LBB2_8-.Ltmp7, $3  }
0x98: {  	_ =	sdelay $0x1  }
0x99: {  	s18 =	simm.s32 $0xFB98  }
0x9a: {  	s17 =	simm.s32 $0xBA98;
	s19 =	sadd.s32 $0xFFFFFFFF, s19;
	p0 =	por $0x0, $0x0  }
0x9b: {  	s20 =	simm.s32 $0xFB18  }
0x9c: {  	[tilespmem:s11], [sflag:$0x1] =	stream.indirect.gather [hbm4b:s3+s10], $0x40, s20, s10, $0xb8;
	[tilespmem:$0x17C18] =	vst v63  }
0x9d: {  	_ = 	snop  }
0x9e: {  	[tilespmem:s12], [sflag:$0x2] =	stream.indirect.gather [hbm4b:s3+s10], $0x40, s18, s10, $0xb8;
	[tilespmem:$0x17C18] =	vst v63  }
0x9f: {  	_ =	swait.ge [sflag:s9], $0x2000  }
0xa0: {  	[sflag:s9] =	ssyncset.done $0x0  }
0xa1: {  	s31 =	simm.s32 $0xBA18;
	[sflag:s9] =	ssyncadd.s32 $0xFFFFE000  }
0xa2: {  	[hbm4b:s4+s10] =	stream.indirect.scatter [tilespmem:s11], [sflag:$0x3], $0x40, s31, s10, $0xb8;
	[tilespmem:$0x17C18] =	vst v63  }
0xa3: {  	_ =	swait.ge [sflag:s13], $0x2000  }
0xa4: {  	[sflag:s13] =	ssyncset.done $0x0  }
0xa5: {  	p1 =	sne.s32 s19, $0x1;
	[sflag:s13] =	ssyncadd.s32 $0xFFFFE000  }
0xa6: {  	[hbm4b:s4+s10] =	stream.indirect.scatter [tilespmem:s12], [sflag:$0x4], $0x40, s17, s10, $0xb8;
	[tilespmem:$0x17C18] =	vst v63  }
.Ltmp8:
0xa7: {  	_ =	swait.ge [sflag:s14], $0x2000;
	(pc) =	sbr.rel @!p1 .LBB2_10-.Ltmp8, $4  }
0xa8: {  	[sflag:s14] =	ssyncset.done $0x0  }
0xa9: {  	[sflag:s14] =	ssyncadd.s32 $0xFFFFE000  }
0xaa: {  	p0 =	por $0x1, $0x1;
	s20 =	sadd.s32 $0xFFFFFFFF, s19;
	_ =	swait.ge [sflag:s15], $0x2000  }
0xab: {  	s19 =	simm.s32 $0xBA98;
	s18 =	simm.s32 $0xFC98;
	[sflag:s15] =	ssyncset.done $0x0  }
.LBB2_11:
0xac: {  	s21 =	sadd.s32 $0xFFFFFF80, s18;
	[sflag:s15] =	ssyncadd.s32 $0xFFFFE000;
	s19 =	sadd.s32 $0x100, s19  }
0xad: {  	[tilespmem:s11], [sflag:$0x1] =	stream.indirect.gather [hbm4b:s3+s10], $0x40, s21, s10, $0xb8;
	[tilespmem:$0x17C18] =	vst v63  }
0xae: {  	p1 =	sne.s32 s20, $0x1;
	s20 =	sadd.s32 $0xFFFFFFFF, s20  }
0xaf: {  	[tilespmem:s12], [sflag:$0x2] =	stream.indirect.gather [hbm4b:s3+s10], $0x40, s18, s10, $0xb8;
	[tilespmem:$0x17C18] =	vst v63  }
0xb0: {  	_ =	swait.ge [sflag:s9], $0x2000  }
0xb1: {  	[sflag:s9] =	ssyncset.done $0x0  }
0xb2: {  	s21 =	sadd.s32 $0xFFFFFF80, s19;
	[sflag:s9] =	ssyncadd.s32 $0xFFFFE000  }
0xb3: {  	[hbm4b:s4+s10] =	stream.indirect.scatter [tilespmem:s11], [sflag:$0x3], $0x40, s21, s10, $0xb8;
	[tilespmem:$0x17C18] =	vst v63  }
0xb4: {  	_ =	swait.ge [sflag:s13], $0x2000  }
0xb5: {  	[sflag:s13] =	ssyncset.done $0x0  }
0xb6: {  	[sflag:s13] =	ssyncadd.s32 $0xFFFFE000  }
0xb7: {  	[hbm4b:s4+s10] =	stream.indirect.scatter [tilespmem:s12], [sflag:$0x4], $0x40, s19, s10, $0xb8;
	[tilespmem:$0x17C18] =	vst v63  }
.Ltmp9:
0xb8: {  	_ =	swait.ge [sflag:s14], $0x2000;
	(pc) =	sbr.rel @p1 .LBB2_11-.Ltmp9, $4  }
0xb9: {  	[sflag:s14] =	ssyncset.done $0x0  }
0xba: {  	[sflag:s14] =	ssyncadd.s32 $0xFFFFE000  }
0xbb: {  	_ =	swait.ge [sflag:s15], $0x2000  }
0xbc: {  	s18 =	sadd.s32 $0x100, s18;
	[sflag:s15] =	ssyncset.done $0x0  }
.Ltmp10:
0xbd: {  	_ = 	snop;
	(pc) =	sbr.rel .LBB2_12-.Ltmp10, $1  }
0xbe: {  	_ =	sdelay $0x3  }
.LBB2_10:
.Ltmp11:
0xbf: {  	(pc) =	sbr.rel .LBB2_12-.Ltmp11, $2  }
0xc0: {  	_ =	sdelay $0x2  }
0xc1: {  	s19 =	simm.s32 $0xBA98  }
.LBB2_14:
0xc2: {  	_ =	sfence.sel $0x180000  }
0xc3: {  	[bflag:$0x0] =	sbarrier.arrive $0xFFFF  }
0xc4: {  	p0 =	sne.s32 s0, $0x0;
	_ =	strace $0x90000047  }
0xc5: {  	s0 =	sadd.s32 @!p0 $0x100000, s1;
	[bflag:$0x2] =	sbarrier.arrive $0xFFFF  }
0xc6: {  	[sflag:s0] =	ssyncadd.tile.s32 @!p0 $0x1;
	_ =	shalt  }
.Lfunc_end2:
_tile_overlayer_lowered:
.L_overlay_start_2:
0xc7: {  	(tag) =	ssettag $0x2  }
0xc8: {  	s0 =	rddreg [dreg:$0x0];
	s2 =	stileid.u32  }
0xc9: {  	s1 =	rddreg [dreg:$0x1];
	p0 =	sne.s32 s2, $0x0  }
0xca: {  	s3 =	rddreg [dreg:$0x2];
	[bflag:$0x3] =	sbarrier.arrive $0xFFFF;
	s2 =	simm.s32 @!p0 $0x1C05  }
0xcb: {  	[timem:s3], [sflag:s2] =	dma.local @!p0 [hbm:s0], s1  }
0xcc: {  	s0 =	simm.s32 @!p0 $0x5  }
0xcd: {  	_ =	swait.ge @!p0 [sflag:s0], s1  }
0xce: {  	s1 =	ssub.s32 @!p0 $0x0, s1;
	[sflag:s0] =	ssyncset.done @!p0 $0x0  }
0xcf: {  	[sflag:s0] =	ssyncadd.s32 @!p0 s1  }
0xd0: {  	[bflag:$0x3] =	sbarrier.arrive $0xFFFF  }
0xd1: {  	_ =	shalt  }

</sc_bundles>
